<compile_context>
chip_gen: v7x
topology: tpu7x:2x2x1
jax: 0.10.2.dev20260603
libtpu: 0.0.44.dev20260713+nightly
codegen_flags: <defaults>
</compile_context>

<pallas_src>
import functools

import jax
import jax.numpy as jnp
from jax import lax
from jax.experimental import pallas as pl
from jax.experimental.pallas import tpu as pltpu
from jax.experimental.pallas import tpu_sc as plsc

_NUM_ROWS = 1_000_000
_DIM = 10
_PAD = 16
_N = 16384

_CHUNK = 128
_NCHUNKS = _N // _CHUNK
_GROUPS = _CHUNK // 16

_info = plsc.get_sparse_core_info()
_NC, _NS = _info.num_cores, _info.num_subcores
_NW = _NC * _NS
_CPW = _NCHUNKS // _NW

_mesh = plsc.VectorSubcoreMesh(core_axis_name="c", subcore_axis_name="s")


@functools.partial(
    pl.kernel,
    mesh=_mesh,
    compiler_params=pltpu.CompilerParams(
        use_tc_tiling_on_sc=False,
        disable_bounds_checks=True,
        needs_layout_passes=False,
        allow_input_fusion=[True, False],
    ),
    out_type=jax.ShapeDtypeStruct((_NCHUNKS * _CHUNK * _PAD,), jnp.float32),
    scratch_types=(
        [pltpu.VMEM((_CPW, _CHUNK), jnp.int32) for _ in range(_DIM)]
        + [pltpu.VMEM((_CHUNK,), jnp.float32) for _ in range(_DIM)]
        + [
            pltpu.VMEM((_CHUNK * _PAD,), jnp.float32),
            pltpu.SemaphoreType.DMA,
        ]
    ),
)
def _gather_kernel(flat_hbm, widx_hbm, out_hbm, *scratch):
    widx_vs = scratch[:_DIM]
    col_vs = scratch[_DIM:2 * _DIM]
    asm_v = scratch[2 * _DIM]
    sem = scratch[2 * _DIM + 1]
    wid = lax.axis_index("s") * _NC + lax.axis_index("c")
    base = wid * _CPW
    for w in range(_DIM):
        pltpu.sync_copy(widx_hbm.at[w, pl.ds(base, _CPW)], widx_vs[w])
    lanes = lax.iota(jnp.int32, 16)
    for jj in range(_CPW):
        copies = [
            pltpu.async_copy(flat_hbm.at[widx_vs[w].at[jj]], col_vs[w], sem)
            for w in range(_DIM)
        ]
        for cp in copies:
            cp.wait()

        def group_body(g, carry):
            row0 = g * 16
            rows = row0 + lanes
            for w in range(_DIM):
                val = col_vs[w][pl.ds(row0, 16)]
                plsc.store_scatter(asm_v, [rows * _PAD + w], val)
            return carry

        lax.fori_loop(0, _GROUPS, group_body, 0)
        pltpu.sync_copy(
            asm_v, out_hbm.at[pl.ds((base + jj) * _CHUNK * _PAD, _CHUNK * _PAD)]
        )


@jax.jit
def kernel(shape_param_human, rand_id):
    flat = shape_param_human.reshape(_NUM_ROWS * _DIM)
    r = rand_id.astype(jnp.int32)
    widx = (
        (_DIM * r)[None, :] + jnp.arange(_DIM, dtype=jnp.int32)[:, None]
    ).reshape(_DIM, _NCHUNKS, _CHUNK)
    planes = _gather_kernel(flat, widx)
    return planes.reshape(_N, _PAD)[:, :_DIM]

# --- scband reference (transcript-rebuilt; emitter-appended) ---
"""Pipeline reference for scband-shape-sampler-76544907149687 (READ-ONLY COPY).

The authoritative reference and input builder live on the scoring server;
editing this copy changes nothing except your own understanding.
"""

import jax, jax.numpy as jnp
import numpy as np

NUM_ROWS = 1000000
DIM = 10
N_SAMPLES = 16384

def setup_inputs(seed: int = 0) -> dict:
    key = jax.random.key(seed)
    k1, k2 = jax.random.split(key)
    # Learned/stored parameter table: shape_param_human = torch.from_numpy(training_dataset.shape_param_sample)
    shape_param_human = jax.random.normal(k1, (NUM_ROWS, DIM), dtype=jnp.float32)
    # torch forward draws rand_id = torch.randint(0, num_rows, (n,)) internally;
    # we materialize it deterministically here so the reference is reproducible.
    rand_id = jax.random.randint(k2, (N_SAMPLES,), 0, NUM_ROWS, dtype=jnp.int64 if jax.config.jax_enable_x64 else jnp.int32)
    return {"shape_param_human": shape_param_human, "rand_id": rand_id}

def reference(shape_param_human, rand_id):
    # sample_shape = self.shape_param_human[rand_id, :]
    # (.pin_memory().to(device) is a host->device transfer, a no-op mathematically)
    sample_shape = jnp.take(shape_param_human, rand_id, axis=0)
    return sample_shape

if __name__ == "__main__":
    import jax
    _d = setup_inputs()
    print(jax.jit(kernel)(*tuple(_d.values())))

</pallas_src>

<mosaic_0001>
#map = affine_map<(d0, d1) -> (0)>
#map1 = affine_map<(d0, d1) -> (0, 0, 0)>
module attributes {stable_mosaic.version = 14 : i64} {
  func.func @_gather_kernel(%arg0: i32, %arg1: i32, %arg2: memref<10000000xf32, #tpu.memory_space<hbm>>, %arg3: memref<10x128x128xi32, #tpu.memory_space<hbm>>, %arg4: memref<262144xf32, #tpu.memory_space<hbm>>, %arg5: memref<4x128xi32, #tpu.memory_space<vmem>>, %arg6: memref<4x128xi32, #tpu.memory_space<vmem>>, %arg7: memref<4x128xi32, #tpu.memory_space<vmem>>, %arg8: memref<4x128xi32, #tpu.memory_space<vmem>>, %arg9: memref<4x128xi32, #tpu.memory_space<vmem>>, %arg10: memref<4x128xi32, #tpu.memory_space<vmem>>, %arg11: memref<4x128xi32, #tpu.memory_space<vmem>>, %arg12: memref<4x128xi32, #tpu.memory_space<vmem>>, %arg13: memref<4x128xi32, #tpu.memory_space<vmem>>, %arg14: memref<4x128xi32, #tpu.memory_space<vmem>>, %arg15: memref<128xf32, #tpu.memory_space<vmem>>, %arg16: memref<128xf32, #tpu.memory_space<vmem>>, %arg17: memref<128xf32, #tpu.memory_space<vmem>>, %arg18: memref<128xf32, #tpu.memory_space<vmem>>, %arg19: memref<128xf32, #tpu.memory_space<vmem>>, %arg20: memref<128xf32, #tpu.memory_space<vmem>>, %arg21: memref<128xf32, #tpu.memory_space<vmem>>, %arg22: memref<128xf32, #tpu.memory_space<vmem>>, %arg23: memref<128xf32, #tpu.memory_space<vmem>>, %arg24: memref<128xf32, #tpu.memory_space<vmem>>, %arg25: memref<2048xf32, #tpu.memory_space<vmem>>, %arg26: memref<!tpu.dma_semaphore, #tpu.memory_space<semaphore_mem>>) attributes {dimension_semantics = [#tpu.dimension_semantics<core_parallel>, #tpu.dimension_semantics<subcore_parallel>], iteration_bounds = array<i64: 2, 16>, scalar_prefetch = 0 : i64, scratch_operands = 22 : i64, tpu.core_type = #tpu.core_type<sc_vector_subcore>, window_params = [{transform_indices = #map}, {transform_indices = #map1}, {transform_indices = #map}]} {
    %mul3A = arith.constant 2 : i32
    %mul3A_0 = arith.muli %arg1, %mul3A : i32
    %add3A = arith.addi %mul3A_0, %arg0 : i32
    %mul3A_1 = arith.constant 4 : i32
    %mul3A_2 = arith.muli %add3A, %mul3A_1 : i32
    %run_scoped3A = arith.constant 0 : i32
    "tpu.region"() ({
      %run_scoped3A_537 = tpu.sem_alloc : memref<!tpu.dma_semaphore, #tpu.memory_space<semaphore_mem>>
      %dma_start3A_538 = arith.constant 0 : i32
      %dma_start3A_539 = tpu.memref_slice %arg3[%run_scoped3A, %mul3A_2, %dma_start3A_538] : memref<10x128x128xi32, #tpu.memory_space<hbm>> -> memref<1x4x128xi32, #tpu.memory_space<hbm>>
      %dma_start3A_540 = tpu.memref_squeeze %dma_start3A_539 : memref<1x4x128xi32, #tpu.memory_space<hbm>> -> memref<4x128xi32, #tpu.memory_space<hbm>>
      %dma_start3A_541 = arith.constant 0 : i32
      %dma_start3A_542 = tpu.memref_slice %arg3[%run_scoped3A, %mul3A_2, %dma_start3A_541] : memref<10x128x128xi32, #tpu.memory_space<hbm>> -> memref<1x4x128xi32, #tpu.memory_space<hbm>>
      %dma_start3A_543 = tpu.memref_squeeze %dma_start3A_542 : memref<1x4x128xi32, #tpu.memory_space<hbm>> -> memref<4x128xi32, #tpu.memory_space<hbm>>
      tpu.enqueue_dma source(%dma_start3A_543 : memref<4x128xi32, #tpu.memory_space<hbm>>) target(%arg5 : memref<4x128xi32, #tpu.memory_space<vmem>>) target_semaphore(%run_scoped3A_537 : memref<!tpu.dma_semaphore, #tpu.memory_space<semaphore_mem>>)
      %dma_wait3A_544 = arith.constant 0 : i32
      %dma_wait3A_545 = tpu.memref_slice %arg3[%run_scoped3A, %mul3A_2, %dma_wait3A_544] : memref<10x128x128xi32, #tpu.memory_space<hbm>> -> memref<1x4x128xi32, #tpu.memory_space<hbm>>
      %dma_wait3A_546 = tpu.memref_squeeze %dma_wait3A_545 : memref<1x4x128xi32, #tpu.memory_space<hbm>> -> memref<4x128xi32, #tpu.memory_space<hbm>>
      %dma_wait3A_547 = arith.constant 0 : i32
      %dma_wait3A_548 = tpu.memref_slice %arg3[%run_scoped3A, %mul3A_2, %dma_wait3A_547] : memref<10x128x128xi32, #tpu.memory_space<hbm>> -> memref<1x4x128xi32, #tpu.memory_space<hbm>>
      %dma_wait3A_549 = tpu.memref_squeeze %dma_wait3A_548 : memref<1x4x128xi32, #tpu.memory_space<hbm>> -> memref<4x128xi32, #tpu.memory_space<hbm>>
      tpu.wait_dma2 semaphore(%run_scoped3A_537 : memref<!tpu.dma_semaphore, #tpu.memory_space<semaphore_mem>>) src(%dma_wait3A_549 : memref<4x128xi32, #tpu.memory_space<hbm>>) dst(%arg5 : memref<4x128xi32, #tpu.memory_space<vmem>>)
      tpu.yield
    }) : () -> ()
    %run_scoped3A_3 = arith.constant 1 : i32
    "tpu.region"() ({
      %run_scoped3A_537 = tpu.sem_alloc : memref<!tpu.dma_semaphore, #tpu.memory_space<semaphore_mem>>
      %dma_start3A_538 = arith.constant 0 : i32
      %dma_start3A_539 = tpu.memref_slice %arg3[%run_scoped3A_3, %mul3A_2, %dma_start3A_538] : memref<10x128x128xi32, #tpu.memory_space<hbm>> -> memref<1x4x128xi32, #tpu.memory_space<hbm>>
      %dma_start3A_540 = tpu.memref_squeeze %dma_start3A_539 : memref<1x4x128xi32, #tpu.memory_space<hbm>> -> memref<4x128xi32, #tpu.memory_space<hbm>>
      %dma_start3A_541 = arith.constant 0 : i32
      %dma_start3A_542 = tpu.memref_slice %arg3[%run_scoped3A_3, %mul3A_2, %dma_start3A_541] : memref<10x128x128xi32, #tpu.memory_space<hbm>> -> memref<1x4x128xi32, #tpu.memory_space<hbm>>
      %dma_start3A_543 = tpu.memref_squeeze %dma_start3A_542 : memref<1x4x128xi32, #tpu.memory_space<hbm>> -> memref<4x128xi32, #tpu.memory_space<hbm>>
      tpu.enqueue_dma source(%dma_start3A_543 : memref<4x128xi32, #tpu.memory_space<hbm>>) target(%arg6 : memref<4x128xi32, #tpu.memory_space<vmem>>) target_semaphore(%run_scoped3A_537 : memref<!tpu.dma_semaphore, #tpu.memory_space<semaphore_mem>>)
      %dma_wait3A_544 = arith.constant 0 : i32
      %dma_wait3A_545 = tpu.memref_slice %arg3[%run_scoped3A_3, %mul3A_2, %dma_wait3A_544] : memref<10x128x128xi32, #tpu.memory_space<hbm>> -> memref<1x4x128xi32, #tpu.memory_space<hbm>>
      %dma_wait3A_546 = tpu.memref_squeeze %dma_wait3A_545 : memref<1x4x128xi32, #tpu.memory_space<hbm>> -> memref<4x128xi32, #tpu.memory_space<hbm>>
      %dma_wait3A_547 = arith.constant 0 : i32
      %dma_wait3A_548 = tpu.memref_slice %arg3[%run_scoped3A_3, %mul3A_2, %dma_wait3A_547] : memref<10x128x128xi32, #tpu.memory_space<hbm>> -> memref<1x4x128xi32, #tpu.memory_space<hbm>>
      %dma_wait3A_549 = tpu.memref_squeeze %dma_wait3A_548 : memref<1x4x128xi32, #tpu.memory_space<hbm>> -> memref<4x128xi32, #tpu.memory_space<hbm>>
      tpu.wait_dma2 semaphore(%run_scoped3A_537 : memref<!tpu.dma_semaphore, #tpu.memory_space<semaphore_mem>>) src(%dma_wait3A_549 : memref<4x128xi32, #tpu.memory_space<hbm>>) dst(%arg6 : memref<4x128xi32, #tpu.memory_space<vmem>>)
      tpu.yield
    }) : () -> ()
    %run_scoped3A_4 = arith.constant 2 : i32
    "tpu.region"() ({
      %run_scoped3A_537 = tpu.sem_alloc : memref<!tpu.dma_semaphore, #tpu.memory_space<semaphore_mem>>
      %dma_start3A_538 = arith.constant 0 : i32
      %dma_start3A_539 = tpu.memref_slice %arg3[%run_scoped3A_4, %mul3A_2, %dma_start3A_538] : memref<10x128x128xi32, #tpu.memory_space<hbm>> -> memref<1x4x128xi32, #tpu.memory_space<hbm>>
      %dma_start3A_540 = tpu.memref_squeeze %dma_start3A_539 : memref<1x4x128xi32, #tpu.memory_space<hbm>> -> memref<4x128xi32, #tpu.memory_space<hbm>>
      %dma_start3A_541 = arith.constant 0 : i32
      %dma_start3A_542 = tpu.memref_slice %arg3[%run_scoped3A_4, %mul3A_2, %dma_start3A_541] : memref<10x128x128xi32, #tpu.memory_space<hbm>> -> memref<1x4x128xi32, #tpu.memory_space<hbm>>
      %dma_start3A_543 = tpu.memref_squeeze %dma_start3A_542 : memref<1x4x128xi32, #tpu.memory_space<hbm>> -> memref<4x128xi32, #tpu.memory_space<hbm>>
      tpu.enqueue_dma source(%dma_start3A_543 : memref<4x128xi32, #tpu.memory_space<hbm>>) target(%arg7 : memref<4x128xi32, #tpu.memory_space<vmem>>) target_semaphore(%run_scoped3A_537 : memref<!tpu.dma_semaphore, #tpu.memory_space<semaphore_mem>>)
      %dma_wait3A_544 = arith.constant 0 : i32
      %dma_wait3A_545 = tpu.memref_slice %arg3[%run_scoped3A_4, %mul3A_2, %dma_wait3A_544] : memref<10x128x128xi32, #tpu.memory_space<hbm>> -> memref<1x4x128xi32, #tpu.memory_space<hbm>>
      %dma_wait3A_546 = tpu.memref_squeeze %dma_wait3A_545 : memref<1x4x128xi32, #tpu.memory_space<hbm>> -> memref<4x128xi32, #tpu.memory_space<hbm>>
      %dma_wait3A_547 = arith.constant 0 : i32
      %dma_wait3A_548 = tpu.memref_slice %arg3[%run_scoped3A_4, %mul3A_2, %dma_wait3A_547] : memref<10x128x128xi32, #tpu.memory_space<hbm>> -> memref<1x4x128xi32, #tpu.memory_space<hbm>>
      %dma_wait3A_549 = tpu.memref_squeeze %dma_wait3A_548 : memref<1x4x128xi32, #tpu.memory_space<hbm>> -> memref<4x128xi32, #tpu.memory_space<hbm>>
      tpu.wait_dma2 semaphore(%run_scoped3A_537 : memref<!tpu.dma_semaphore, #tpu.memory_space<semaphore_mem>>) src(%dma_wait3A_549 : memref<4x128xi32, #tpu.memory_space<hbm>>) dst(%arg7 : memref<4x128xi32, #tpu.memory_space<vmem>>)
      tpu.yield
    }) : () -> ()
    %run_scoped3A_5 = arith.constant 3 : i32
    "tpu.region"() ({
      %run_scoped3A_537 = tpu.sem_alloc : memref<!tpu.dma_semaphore, #tpu.memory_space<semaphore_mem>>
      %dma_start3A_538 = arith.constant 0 : i32
      %dma_start3A_539 = tpu.memref_slice %arg3[%run_scoped3A_5, %mul3A_2, %dma_start3A_538] : memref<10x128x128xi32, #tpu.memory_space<hbm>> -> memref<1x4x128xi32, #tpu.memory_space<hbm>>
      %dma_start3A_540 = tpu.memref_squeeze %dma_start3A_539 : memref<1x4x128xi32, #tpu.memory_space<hbm>> -> memref<4x128xi32, #tpu.memory_space<hbm>>
      %dma_start3A_541 = arith.constant 0 : i32
      %dma_start3A_542 = tpu.memref_slice %arg3[%run_scoped3A_5, %mul3A_2, %dma_start3A_541] : memref<10x128x128xi32, #tpu.memory_space<hbm>> -> memref<1x4x128xi32, #tpu.memory_space<hbm>>
      %dma_start3A_543 = tpu.memref_squeeze %dma_start3A_542 : memref<1x4x128xi32, #tpu.memory_space<hbm>> -> memref<4x128xi32, #tpu.memory_space<hbm>>
      tpu.enqueue_dma source(%dma_start3A_543 : memref<4x128xi32, #tpu.memory_space<hbm>>) target(%arg8 : memref<4x128xi32, #tpu.memory_space<vmem>>) target_semaphore(%run_scoped3A_537 : memref<!tpu.dma_semaphore, #tpu.memory_space<semaphore_mem>>)
      %dma_wait3A_544 = arith.constant 0 : i32
      %dma_wait3A_545 = tpu.memref_slice %arg3[%run_scoped3A_5, %mul3A_2, %dma_wait3A_544] : memref<10x128x128xi32, #tpu.memory_space<hbm>> -> memref<1x4x128xi32, #tpu.memory_space<hbm>>
      %dma_wait3A_546 = tpu.memref_squeeze %dma_wait3A_545 : memref<1x4x128xi32, #tpu.memory_space<hbm>> -> memref<4x128xi32, #tpu.memory_space<hbm>>
      %dma_wait3A_547 = arith.constant 0 : i32
      %dma_wait3A_548 = tpu.memref_slice %arg3[%run_scoped3A_5, %mul3A_2, %dma_wait3A_547] : memref<10x128x128xi32, #tpu.memory_space<hbm>> -> memref<1x4x128xi32, #tpu.memory_space<hbm>>
      %dma_wait3A_549 = tpu.memref_squeeze %dma_wait3A_548 : memref<1x4x128xi32, #tpu.memory_space<hbm>> -> memref<4x128xi32, #tpu.memory_space<hbm>>
      tpu.wait_dma2 semaphore(%run_scoped3A_537 : memref<!tpu.dma_semaphore, #tpu.memory_space<semaphore_mem>>) src(%dma_wait3A_549 : memref<4x128xi32, #tpu.memory_space<hbm>>) dst(%arg8 : memref<4x128xi32, #tpu.memory_space<vmem>>)
      tpu.yield
    }) : () -> ()
    %run_scoped3A_6 = arith.constant 4 : i32
    "tpu.region"() ({
      %run_scoped3A_537 = tpu.sem_alloc : memref<!tpu.dma_semaphore, #tpu.memory_space<semaphore_mem>>
      %dma_start3A_538 = arith.constant 0 : i32
      %dma_start3A_539 = tpu.memref_slice %arg3[%run_scoped3A_6, %mul3A_2, %dma_start3A_538] : memref<10x128x128xi32, #tpu.memory_space<hbm>> -> memref<1x4x128xi32, #tpu.memory_space<hbm>>
      %dma_start3A_540 = tpu.memref_squeeze %dma_start3A_539 : memref<1x4x128xi32, #tpu.memory_space<hbm>> -> memref<4x128xi32, #tpu.memory_space<hbm>>
      %dma_start3A_541 = arith.constant 0 : i32
      %dma_start3A_542 = tpu.memref_slice %arg3[%run_scoped3A_6, %mul3A_2, %dma_start3A_541] : memref<10x128x128xi32, #tpu.memory_space<hbm>> -> memref<1x4x128xi32, #tpu.memory_space<hbm>>
      %dma_start3A_543 = tpu.memref_squeeze %dma_start3A_542 : memref<1x4x128xi32, #tpu.memory_space<hbm>> -> memref<4x128xi32, #tpu.memory_space<hbm>>
      tpu.enqueue_dma source(%dma_start3A_543 : memref<4x128xi32, #tpu.memory_space<hbm>>) target(%arg9 : memref<4x128xi32, #tpu.memory_space<vmem>>) target_semaphore(%run_scoped3A_537 : memref<!tpu.dma_semaphore, #tpu.memory_space<semaphore_mem>>)
      %dma_wait3A_544 = arith.constant 0 : i32
      %dma_wait3A_545 = tpu.memref_slice %arg3[%run_scoped3A_6, %mul3A_2, %dma_wait3A_544] : memref<10x128x128xi32, #tpu.memory_space<hbm>> -> memref<1x4x128xi32, #tpu.memory_space<hbm>>
      %dma_wait3A_546 = tpu.memref_squeeze %dma_wait3A_545 : memref<1x4x128xi32, #tpu.memory_space<hbm>> -> memref<4x128xi32, #tpu.memory_space<hbm>>
      %dma_wait3A_547 = arith.constant 0 : i32
      %dma_wait3A_548 = tpu.memref_slice %arg3[%run_scoped3A_6, %mul3A_2, %dma_wait3A_547] : memref<10x128x128xi32, #tpu.memory_space<hbm>> -> memref<1x4x128xi32, #tpu.memory_space<hbm>>
      %dma_wait3A_549 = tpu.memref_squeeze %dma_wait3A_548 : memref<1x4x128xi32, #tpu.memory_space<hbm>> -> memref<4x128xi32, #tpu.memory_space<hbm>>
      tpu.wait_dma2 semaphore(%run_scoped3A_537 : memref<!tpu.dma_semaphore, #tpu.memory_space<semaphore_mem>>) src(%dma_wait3A_549 : memref<4x128xi32, #tpu.memory_space<hbm>>) dst(%arg9 : memref<4x128xi32, #tpu.memory_space<vmem>>)
      tpu.yield
    }) : () -> ()
    %run_scoped3A_7 = arith.constant 5 : i32
    "tpu.region"() ({
      %run_scoped3A_537 = tpu.sem_alloc : memref<!tpu.dma_semaphore, #tpu.memory_space<semaphore_mem>>
      %dma_start3A_538 = arith.constant 0 : i32
      %dma_start3A_539 = tpu.memref_slice %arg3[%run_scoped3A_7, %mul3A_2, %dma_start3A_538] : memref<10x128x128xi32, #tpu.memory_space<hbm>> -> memref<1x4x128xi32, #tpu.memory_space<hbm>>
      %dma_start3A_540 = tpu.memref_squeeze %dma_start3A_539 : memref<1x4x128xi32, #tpu.memory_space<hbm>> -> memref<4x128xi32, #tpu.memory_space<hbm>>
      %dma_start3A_541 = arith.constant 0 : i32
      %dma_start3A_542 = tpu.memref_slice %arg3[%run_scoped3A_7, %mul3A_2, %dma_start3A_541] : memref<10x128x128xi32, #tpu.memory_space<hbm>> -> memref<1x4x128xi32, #tpu.memory_space<hbm>>
      %dma_start3A_543 = tpu.memref_squeeze %dma_start3A_542 : memref<1x4x128xi32, #tpu.memory_space<hbm>> -> memref<4x128xi32, #tpu.memory_space<hbm>>
      tpu.enqueue_dma source(%dma_start3A_543 : memref<4x128xi32, #tpu.memory_space<hbm>>) target(%arg10 : memref<4x128xi32, #tpu.memory_space<vmem>>) target_semaphore(%run_scoped3A_537 : memref<!tpu.dma_semaphore, #tpu.memory_space<semaphore_mem>>)
      %dma_wait3A_544 = arith.constant 0 : i32
      %dma_wait3A_545 = tpu.memref_slice %arg3[%run_scoped3A_7, %mul3A_2, %dma_wait3A_544] : memref<10x128x128xi32, #tpu.memory_space<hbm>> -> memref<1x4x128xi32, #tpu.memory_space<hbm>>
      %dma_wait3A_546 = tpu.memref_squeeze %dma_wait3A_545 : memref<1x4x128xi32, #tpu.memory_space<hbm>> -> memref<4x128xi32, #tpu.memory_space<hbm>>
      %dma_wait3A_547 = arith.constant 0 : i32
      %dma_wait3A_548 = tpu.memref_slice %arg3[%run_scoped3A_7, %mul3A_2, %dma_wait3A_547] : memref<10x128x128xi32, #tpu.memory_space<hbm>> -> memref<1x4x128xi32, #tpu.memory_space<hbm>>
      %dma_wait3A_549 = tpu.memref_squeeze %dma_wait3A_548 : memref<1x4x128xi32, #tpu.memory_space<hbm>> -> memref<4x128xi32, #tpu.memory_space<hbm>>
      tpu.wait_dma2 semaphore(%run_scoped3A_537 : memref<!tpu.dma_semaphore, #tpu.memory_space<semaphore_mem>>) src(%dma_wait3A_549 : memref<4x128xi32, #tpu.memory_space<hbm>>) dst(%arg10 : memref<4x128xi32, #tpu.memory_space<vmem>>)
      tpu.yield
    }) : () -> ()
    %run_scoped3A_8 = arith.constant 6 : i32
    "tpu.region"() ({
      %run_scoped3A_537 = tpu.sem_alloc : memref<!tpu.dma_semaphore, #tpu.memory_space<semaphore_mem>>
      %dma_start3A_538 = arith.constant 0 : i32
      %dma_start3A_539 = tpu.memref_slice %arg3[%run_scoped3A_8, %mul3A_2, %dma_start3A_538] : memref<10x128x128xi32, #tpu.memory_space<hbm>> -> memref<1x4x128xi32, #tpu.memory_space<hbm>>
      %dma_start3A_540 = tpu.memref_squeeze %dma_start3A_539 : memref<1x4x128xi32, #tpu.memory_space<hbm>> -> memref<4x128xi32, #tpu.memory_space<hbm>>
      %dma_start3A_541 = arith.constant 0 : i32
      %dma_start3A_542 = tpu.memref_slice %arg3[%run_scoped3A_8, %mul3A_2, %dma_start3A_541] : memref<10x128x128xi32, #tpu.memory_space<hbm>> -> memref<1x4x128xi32, #tpu.memory_space<hbm>>
      %dma_start3A_543 = tpu.memref_squeeze %dma_start3A_542 : memref<1x4x128xi32, #tpu.memory_space<hbm>> -> memref<4x128xi32, #tpu.memory_space<hbm>>
      tpu.enqueue_dma source(%dma_start3A_543 : memref<4x128xi32, #tpu.memory_space<hbm>>) target(%arg11 : memref<4x128xi32, #tpu.memory_space<vmem>>) target_semaphore(%run_scoped3A_537 : memref<!tpu.dma_semaphore, #tpu.memory_space<semaphore_mem>>)
      %dma_wait3A_544 = arith.constant 0 : i32
      %dma_wait3A_545 = tpu.memref_slice %arg3[%run_scoped3A_8, %mul3A_2, %dma_wait3A_544] : memref<10x128x128xi32, #tpu.memory_space<hbm>> -> memref<1x4x128xi32, #tpu.memory_space<hbm>>
      %dma_wait3A_546 = tpu.memref_squeeze %dma_wait3A_545 : memref<1x4x128xi32, #tpu.memory_space<hbm>> -> memref<4x128xi32, #tpu.memory_space<hbm>>
      %dma_wait3A_547 = arith.constant 0 : i32
      %dma_wait3A_548 = tpu.memref_slice %arg3[%run_scoped3A_8, %mul3A_2, %dma_wait3A_547] : memref<10x128x128xi32, #tpu.memory_space<hbm>> -> memref<1x4x128xi32, #tpu.memory_space<hbm>>
      %dma_wait3A_549 = tpu.memref_squeeze %dma_wait3A_548 : memref<1x4x128xi32, #tpu.memory_space<hbm>> -> memref<4x128xi32, #tpu.memory_space<hbm>>
      tpu.wait_dma2 semaphore(%run_scoped3A_537 : memref<!tpu.dma_semaphore, #tpu.memory_space<semaphore_mem>>) src(%dma_wait3A_549 : memref<4x128xi32, #tpu.memory_space<hbm>>) dst(%arg11 : memref<4x128xi32, #tpu.memory_space<vmem>>)
      tpu.yield
    }) : () -> ()
    %run_scoped3A_9 = arith.constant 7 : i32
    "tpu.region"() ({
      %run_scoped3A_537 = tpu.sem_alloc : memref<!tpu.dma_semaphore, #tpu.memory_space<semaphore_mem>>
      %dma_start3A_538 = arith.constant 0 : i32
      %dma_start3A_539 = tpu.memref_slice %arg3[%run_scoped3A_9, %mul3A_2, %dma_start3A_538] : memref<10x128x128xi32, #tpu.memory_space<hbm>> -> memref<1x4x128xi32, #tpu.memory_space<hbm>>
      %dma_start3A_540 = tpu.memref_squeeze %dma_start3A_539 : memref<1x4x128xi32, #tpu.memory_space<hbm>> -> memref<4x128xi32, #tpu.memory_space<hbm>>
      %dma_start3A_541 = arith.constant 0 : i32
      %dma_start3A_542 = tpu.memref_slice %arg3[%run_scoped3A_9, %mul3A_2, %dma_start3A_541] : memref<10x128x128xi32, #tpu.memory_space<hbm>> -> memref<1x4x128xi32, #tpu.memory_space<hbm>>
      %dma_start3A_543 = tpu.memref_squeeze %dma_start3A_542 : memref<1x4x128xi32, #tpu.memory_space<hbm>> -> memref<4x128xi32, #tpu.memory_space<hbm>>
      tpu.enqueue_dma source(%dma_start3A_543 : memref<4x128xi32, #tpu.memory_space<hbm>>) target(%arg12 : memref<4x128xi32, #tpu.memory_space<vmem>>) target_semaphore(%run_scoped3A_537 : memref<!tpu.dma_semaphore, #tpu.memory_space<semaphore_mem>>)
      %dma_wait3A_544 = arith.constant 0 : i32
      %dma_wait3A_545 = tpu.memref_slice %arg3[%run_scoped3A_9, %mul3A_2, %dma_wait3A_544] : memref<10x128x128xi32, #tpu.memory_space<hbm>> -> memref<1x4x128xi32, #tpu.memory_space<hbm>>
      %dma_wait3A_546 = tpu.memref_squeeze %dma_wait3A_545 : memref<1x4x128xi32, #tpu.memory_space<hbm>> -> memref<4x128xi32, #tpu.memory_space<hbm>>
      %dma_wait3A_547 = arith.constant 0 : i32
      %dma_wait3A_548 = tpu.memref_slice %arg3[%run_scoped3A_9, %mul3A_2, %dma_wait3A_547] : memref<10x128x128xi32, #tpu.memory_space<hbm>> -> memref<1x4x128xi32, #tpu.memory_space<hbm>>
      %dma_wait3A_549 = tpu.memref_squeeze %dma_wait3A_548 : memref<1x4x128xi32, #tpu.memory_space<hbm>> -> memref<4x128xi32, #tpu.memory_space<hbm>>
      tpu.wait_dma2 semaphore(%run_scoped3A_537 : memref<!tpu.dma_semaphore, #tpu.memory_space<semaphore_mem>>) src(%dma_wait3A_549 : memref<4x128xi32, #tpu.memory_space<hbm>>) dst(%arg12 : memref<4x128xi32, #tpu.memory_space<vmem>>)
      tpu.yield
    }) : () -> ()
    %run_scoped3A_10 = arith.constant 8 : i32
    "tpu.region"() ({
      %run_scoped3A_537 = tpu.sem_alloc : memref<!tpu.dma_semaphore, #tpu.memory_space<semaphore_mem>>
      %dma_start3A_538 = arith.constant 0 : i32
      %dma_start3A_539 = tpu.memref_slice %arg3[%run_scoped3A_10, %mul3A_2, %dma_start3A_538] : memref<10x128x128xi32, #tpu.memory_space<hbm>> -> memref<1x4x128xi32, #tpu.memory_space<hbm>>
      %dma_start3A_540 = tpu.memref_squeeze %dma_start3A_539 : memref<1x4x128xi32, #tpu.memory_space<hbm>> -> memref<4x128xi32, #tpu.memory_space<hbm>>
      %dma_start3A_541 = arith.constant 0 : i32
      %dma_start3A_542 = tpu.memref_slice %arg3[%run_scoped3A_10, %mul3A_2, %dma_start3A_541] : memref<10x128x128xi32, #tpu.memory_space<hbm>> -> memref<1x4x128xi32, #tpu.memory_space<hbm>>
      %dma_start3A_543 = tpu.memref_squeeze %dma_start3A_542 : memref<1x4x128xi32, #tpu.memory_space<hbm>> -> memref<4x128xi32, #tpu.memory_space<hbm>>
      tpu.enqueue_dma source(%dma_start3A_543 : memref<4x128xi32, #tpu.memory_space<hbm>>) target(%arg13 : memref<4x128xi32, #tpu.memory_space<vmem>>) target_semaphore(%run_scoped3A_537 : memref<!tpu.dma_semaphore, #tpu.memory_space<semaphore_mem>>)
      %dma_wait3A_544 = arith.constant 0 : i32
      %dma_wait3A_545 = tpu.memref_slice %arg3[%run_scoped3A_10, %mul3A_2, %dma_wait3A_544] : memref<10x128x128xi32, #tpu.memory_space<hbm>> -> memref<1x4x128xi32, #tpu.memory_space<hbm>>
      %dma_wait3A_546 = tpu.memref_squeeze %dma_wait3A_545 : memref<1x4x128xi32, #tpu.memory_space<hbm>> -> memref<4x128xi32, #tpu.memory_space<hbm>>
      %dma_wait3A_547 = arith.constant 0 : i32
      %dma_wait3A_548 = tpu.memref_slice %arg3[%run_scoped3A_10, %mul3A_2, %dma_wait3A_547] : memref<10x128x128xi32, #tpu.memory_space<hbm>> -> memref<1x4x128xi32, #tpu.memory_space<hbm>>
      %dma_wait3A_549 = tpu.memref_squeeze %dma_wait3A_548 : memref<1x4x128xi32, #tpu.memory_space<hbm>> -> memref<4x128xi32, #tpu.memory_space<hbm>>
      tpu.wait_dma2 semaphore(%run_scoped3A_537 : memref<!tpu.dma_semaphore, #tpu.memory_space<semaphore_mem>>) src(%dma_wait3A_549 : memref<4x128xi32, #tpu.memory_space<hbm>>) dst(%arg13 : memref<4x128xi32, #tpu.memory_space<vmem>>)
      tpu.yield
    }) : () -> ()
    %run_scoped3A_11 = arith.constant 9 : i32
    "tpu.region"() ({
      %run_scoped3A_537 = tpu.sem_alloc : memref<!tpu.dma_semaphore, #tpu.memory_space<semaphore_mem>>
      %dma_start3A_538 = arith.constant 0 : i32
      %dma_start3A_539 = tpu.memref_slice %arg3[%run_scoped3A_11, %mul3A_2, %dma_start3A_538] : memref<10x128x128xi32, #tpu.memory_space<hbm>> -> memref<1x4x128xi32, #tpu.memory_space<hbm>>
      %dma_start3A_540 = tpu.memref_squeeze %dma_start3A_539 : memref<1x4x128xi32, #tpu.memory_space<hbm>> -> memref<4x128xi32, #tpu.memory_space<hbm>>
      %dma_start3A_541 = arith.constant 0 : i32
      %dma_start3A_542 = tpu.memref_slice %arg3[%run_scoped3A_11, %mul3A_2, %dma_start3A_541] : memref<10x128x128xi32, #tpu.memory_space<hbm>> -> memref<1x4x128xi32, #tpu.memory_space<hbm>>
      %dma_start3A_543 = tpu.memref_squeeze %dma_start3A_542 : memref<1x4x128xi32, #tpu.memory_space<hbm>> -> memref<4x128xi32, #tpu.memory_space<hbm>>
      tpu.enqueue_dma source(%dma_start3A_543 : memref<4x128xi32, #tpu.memory_space<hbm>>) target(%arg14 : memref<4x128xi32, #tpu.memory_space<vmem>>) target_semaphore(%run_scoped3A_537 : memref<!tpu.dma_semaphore, #tpu.memory_space<semaphore_mem>>)
      %dma_wait3A_544 = arith.constant 0 : i32
      %dma_wait3A_545 = tpu.memref_slice %arg3[%run_scoped3A_11, %mul3A_2, %dma_wait3A_544] : memref<10x128x128xi32, #tpu.memory_space<hbm>> -> memref<1x4x128xi32, #tpu.memory_space<hbm>>
      %dma_wait3A_546 = tpu.memref_squeeze %dma_wait3A_545 : memref<1x4x128xi32, #tpu.memory_space<hbm>> -> memref<4x128xi32, #tpu.memory_space<hbm>>
      %dma_wait3A_547 = arith.constant 0 : i32
      %dma_wait3A_548 = tpu.memref_slice %arg3[%run_scoped3A_11, %mul3A_2, %dma_wait3A_547] : memref<10x128x128xi32, #tpu.memory_space<hbm>> -> memref<1x4x128xi32, #tpu.memory_space<hbm>>
      %dma_wait3A_549 = tpu.memref_squeeze %dma_wait3A_548 : memref<1x4x128xi32, #tpu.memory_space<hbm>> -> memref<4x128xi32, #tpu.memory_space<hbm>>
      tpu.wait_dma2 semaphore(%run_scoped3A_537 : memref<!tpu.dma_semaphore, #tpu.memory_space<semaphore_mem>>) src(%dma_wait3A_549 : memref<4x128xi32, #tpu.memory_space<hbm>>) dst(%arg14 : memref<4x128xi32, #tpu.memory_space<vmem>>)
      tpu.yield
    }) : () -> ()
    %iota3A = tpu.iota {dimensions = array<i32: 0>} : vector<16xi32>
    %dma_start3A = arith.constant 0 : i32
    %dma_start3A_12 = arith.constant 0 : i32
    %dma_start3A_13 = tpu.memref_slice %arg5[%dma_start3A, %dma_start3A_12] : memref<4x128xi32, #tpu.memory_space<vmem>> -> memref<1x128xi32, #tpu.memory_space<vmem>>
    %dma_start3A_14 = tpu.memref_squeeze %dma_start3A_13 : memref<1x128xi32, #tpu.memory_space<vmem>> -> memref<128xi32, #tpu.memory_space<vmem>>
    %dma_start3A_15 = arith.constant 0 : i32
    %dma_start3A_16 = tpu.memref_slice %arg2[%dma_start3A_15] : memref<10000000xf32, #tpu.memory_space<hbm>> -> memref<10000000xf32, #tpu.memory_space<hbm>>
    tpu.enqueue_indirect_dma source(%dma_start3A_16 : memref<10000000xf32, #tpu.memory_space<hbm>>) target(%arg15 : memref<128xf32, #tpu.memory_space<vmem>>) offsets(%dma_start3A_14 : memref<128xi32, #tpu.memory_space<vmem>>) semaphore(%arg26 : memref<!tpu.dma_semaphore, #tpu.memory_space<semaphore_mem>>)
    %dma_start3A_17 = arith.constant 0 : i32
    %dma_start3A_18 = arith.constant 0 : i32
    %dma_start3A_19 = tpu.memref_slice %arg6[%dma_start3A_17, %dma_start3A_18] : memref<4x128xi32, #tpu.memory_space<vmem>> -> memref<1x128xi32, #tpu.memory_space<vmem>>
    %dma_start3A_20 = tpu.memref_squeeze %dma_start3A_19 : memref<1x128xi32, #tpu.memory_space<vmem>> -> memref<128xi32, #tpu.memory_space<vmem>>
    %dma_start3A_21 = arith.constant 0 : i32
    %dma_start3A_22 = tpu.memref_slice %arg2[%dma_start3A_21] : memref<10000000xf32, #tpu.memory_space<hbm>> -> memref<10000000xf32, #tpu.memory_space<hbm>>
    tpu.enqueue_indirect_dma source(%dma_start3A_22 : memref<10000000xf32, #tpu.memory_space<hbm>>) target(%arg16 : memref<128xf32, #tpu.memory_space<vmem>>) offsets(%dma_start3A_20 : memref<128xi32, #tpu.memory_space<vmem>>) semaphore(%arg26 : memref<!tpu.dma_semaphore, #tpu.memory_space<semaphore_mem>>)
    %dma_start3A_23 = arith.constant 0 : i32
    %dma_start3A_24 = arith.constant 0 : i32
    %dma_start3A_25 = tpu.memref_slice %arg7[%dma_start3A_23, %dma_start3A_24] : memref<4x128xi32, #tpu.memory_space<vmem>> -> memref<1x128xi32, #tpu.memory_space<vmem>>
    %dma_start3A_26 = tpu.memref_squeeze %dma_start3A_25 : memref<1x128xi32, #tpu.memory_space<vmem>> -> memref<128xi32, #tpu.memory_space<vmem>>
    %dma_start3A_27 = arith.constant 0 : i32
    %dma_start3A_28 = tpu.memref_slice %arg2[%dma_start3A_27] : memref<10000000xf32, #tpu.memory_space<hbm>> -> memref<10000000xf32, #tpu.memory_space<hbm>>
    tpu.enqueue_indirect_dma source(%dma_start3A_28 : memref<10000000xf32, #tpu.memory_space<hbm>>) target(%arg17 : memref<128xf32, #tpu.memory_space<vmem>>) offsets(%dma_start3A_26 : memref<128xi32, #tpu.memory_space<vmem>>) semaphore(%arg26 : memref<!tpu.dma_semaphore, #tpu.memory_space<semaphore_mem>>)
    %dma_start3A_29 = arith.constant 0 : i32
    %dma_start3A_30 = arith.constant 0 : i32
    %dma_start3A_31 = tpu.memref_slice %arg8[%dma_start3A_29, %dma_start3A_30] : memref<4x128xi32, #tpu.memory_space<vmem>> -> memref<1x128xi32, #tpu.memory_space<vmem>>
    %dma_start3A_32 = tpu.memref_squeeze %dma_start3A_31 : memref<1x128xi32, #tpu.memory_space<vmem>> -> memref<128xi32, #tpu.memory_space<vmem>>
    %dma_start3A_33 = arith.constant 0 : i32
    %dma_start3A_34 = tpu.memref_slice %arg2[%dma_start3A_33] : memref<10000000xf32, #tpu.memory_space<hbm>> -> memref<10000000xf32, #tpu.memory_space<hbm>>
    tpu.enqueue_indirect_dma source(%dma_start3A_34 : memref<10000000xf32, #tpu.memory_space<hbm>>) target(%arg18 : memref<128xf32, #tpu.memory_space<vmem>>) offsets(%dma_start3A_32 : memref<128xi32, #tpu.memory_space<vmem>>) semaphore(%arg26 : memref<!tpu.dma_semaphore, #tpu.memory_space<semaphore_mem>>)
    %dma_start3A_35 = arith.constant 0 : i32
    %dma_start3A_36 = arith.constant 0 : i32
    %dma_start3A_37 = tpu.memref_slice %arg9[%dma_start3A_35, %dma_start3A_36] : memref<4x128xi32, #tpu.memory_space<vmem>> -> memref<1x128xi32, #tpu.memory_space<vmem>>
    %dma_start3A_38 = tpu.memref_squeeze %dma_start3A_37 : memref<1x128xi32, #tpu.memory_space<vmem>> -> memref<128xi32, #tpu.memory_space<vmem>>
    %dma_start3A_39 = arith.constant 0 : i32
    %dma_start3A_40 = tpu.memref_slice %arg2[%dma_start3A_39] : memref<10000000xf32, #tpu.memory_space<hbm>> -> memref<10000000xf32, #tpu.memory_space<hbm>>
    tpu.enqueue_indirect_dma source(%dma_start3A_40 : memref<10000000xf32, #tpu.memory_space<hbm>>) target(%arg19 : memref<128xf32, #tpu.memory_space<vmem>>) offsets(%dma_start3A_38 : memref<128xi32, #tpu.memory_space<vmem>>) semaphore(%arg26 : memref<!tpu.dma_semaphore, #tpu.memory_space<semaphore_mem>>)
    %dma_start3A_41 = arith.constant 0 : i32
    %dma_start3A_42 = arith.constant 0 : i32
    %dma_start3A_43 = tpu.memref_slice %arg10[%dma_start3A_41, %dma_start3A_42] : memref<4x128xi32, #tpu.memory_space<vmem>> -> memref<1x128xi32, #tpu.memory_space<vmem>>
    %dma_start3A_44 = tpu.memref_squeeze %dma_start3A_43 : memref<1x128xi32, #tpu.memory_space<vmem>> -> memref<128xi32, #tpu.memory_space<vmem>>
    %dma_start3A_45 = arith.constant 0 : i32
    %dma_start3A_46 = tpu.memref_slice %arg2[%dma_start3A_45] : memref<10000000xf32, #tpu.memory_space<hbm>> -> memref<10000000xf32, #tpu.memory_space<hbm>>
    tpu.enqueue_indirect_dma source(%dma_start3A_46 : memref<10000000xf32, #tpu.memory_space<hbm>>) target(%arg20 : memref<128xf32, #tpu.memory_space<vmem>>) offsets(%dma_start3A_44 : memref<128xi32, #tpu.memory_space<vmem>>) semaphore(%arg26 : memref<!tpu.dma_semaphore, #tpu.memory_space<semaphore_mem>>)
    %dma_start3A_47 = arith.constant 0 : i32
    %dma_start3A_48 = arith.constant 0 : i32
    %dma_start3A_49 = tpu.memref_slice %arg11[%dma_start3A_47, %dma_start3A_48] : memref<4x128xi32, #tpu.memory_space<vmem>> -> memref<1x128xi32, #tpu.memory_space<vmem>>
    %dma_start3A_50 = tpu.memref_squeeze %dma_start3A_49 : memref<1x128xi32, #tpu.memory_space<vmem>> -> memref<128xi32, #tpu.memory_space<vmem>>
    %dma_start3A_51 = arith.constant 0 : i32
    %dma_start3A_52 = tpu.memref_slice %arg2[%dma_start3A_51] : memref<10000000xf32, #tpu.memory_space<hbm>> -> memref<10000000xf32, #tpu.memory_space<hbm>>
    tpu.enqueue_indirect_dma source(%dma_start3A_52 : memref<10000000xf32, #tpu.memory_space<hbm>>) target(%arg21 : memref<128xf32, #tpu.memory_space<vmem>>) offsets(%dma_start3A_50 : memref<128xi32, #tpu.memory_space<vmem>>) semaphore(%arg26 : memref<!tpu.dma_semaphore, #tpu.memory_space<semaphore_mem>>)
    %dma_start3A_53 = arith.constant 0 : i32
    %dma_start3A_54 = arith.constant 0 : i32
    %dma_start3A_55 = tpu.memref_slice %arg12[%dma_start3A_53, %dma_start3A_54] : memref<4x128xi32, #tpu.memory_space<vmem>> -> memref<1x128xi32, #tpu.memory_space<vmem>>
    %dma_start3A_56 = tpu.memref_squeeze %dma_start3A_55 : memref<1x128xi32, #tpu.memory_space<vmem>> -> memref<128xi32, #tpu.memory_space<vmem>>
    %dma_start3A_57 = arith.constant 0 : i32
    %dma_start3A_58 = tpu.memref_slice %arg2[%dma_start3A_57] : memref<10000000xf32, #tpu.memory_space<hbm>> -> memref<10000000xf32, #tpu.memory_space<hbm>>
    tpu.enqueue_indirect_dma source(%dma_start3A_58 : memref<10000000xf32, #tpu.memory_space<hbm>>) target(%arg22 : memref<128xf32, #tpu.memory_space<vmem>>) offsets(%dma_start3A_56 : memref<128xi32, #tpu.memory_space<vmem>>) semaphore(%arg26 : memref<!tpu.dma_semaphore, #tpu.memory_space<semaphore_mem>>)
    %dma_start3A_59 = arith.constant 0 : i32
    %dma_start3A_60 = arith.constant 0 : i32
    %dma_start3A_61 = tpu.memref_slice %arg13[%dma_start3A_59, %dma_start3A_60] : memref<4x128xi32, #tpu.memory_space<vmem>> -> memref<1x128xi32, #tpu.memory_space<vmem>>
    %dma_start3A_62 = tpu.memref_squeeze %dma_start3A_61 : memref<1x128xi32, #tpu.memory_space<vmem>> -> memref<128xi32, #tpu.memory_space<vmem>>
    %dma_start3A_63 = arith.constant 0 : i32
    %dma_start3A_64 = tpu.memref_slice %arg2[%dma_start3A_63] : memref<10000000xf32, #tpu.memory_space<hbm>> -> memref<10000000xf32, #tpu.memory_space<hbm>>
    tpu.enqueue_indirect_dma source(%dma_start3A_64 : memref<10000000xf32, #tpu.memory_space<hbm>>) target(%arg23 : memref<128xf32, #tpu.memory_space<vmem>>) offsets(%dma_start3A_62 : memref<128xi32, #tpu.memory_space<vmem>>) semaphore(%arg26 : memref<!tpu.dma_semaphore, #tpu.memory_space<semaphore_mem>>)
    %dma_start3A_65 = arith.constant 0 : i32
    %dma_start3A_66 = arith.constant 0 : i32
    %dma_start3A_67 = tpu.memref_slice %arg14[%dma_start3A_65, %dma_start3A_66] : memref<4x128xi32, #tpu.memory_space<vmem>> -> memref<1x128xi32, #tpu.memory_space<vmem>>
    %dma_start3A_68 = tpu.memref_squeeze %dma_start3A_67 : memref<1x128xi32, #tpu.memory_space<vmem>> -> memref<128xi32, #tpu.memory_space<vmem>>
    %dma_start3A_69 = arith.constant 0 : i32
    %dma_start3A_70 = tpu.memref_slice %arg2[%dma_start3A_69] : memref<10000000xf32, #tpu.memory_space<hbm>> -> memref<10000000xf32, #tpu.memory_space<hbm>>
    tpu.enqueue_indirect_dma source(%dma_start3A_70 : memref<10000000xf32, #tpu.memory_space<hbm>>) target(%arg24 : memref<128xf32, #tpu.memory_space<vmem>>) offsets(%dma_start3A_68 : memref<128xi32, #tpu.memory_space<vmem>>) semaphore(%arg26 : memref<!tpu.dma_semaphore, #tpu.memory_space<semaphore_mem>>)
    %dma_wait3A = arith.constant 0 : i32
    %dma_wait3A_71 = arith.constant 0 : i32
    %dma_wait3A_72 = tpu.memref_slice %arg5[%dma_wait3A, %dma_wait3A_71] : memref<4x128xi32, #tpu.memory_space<vmem>> -> memref<1x128xi32, #tpu.memory_space<vmem>>
    %dma_wait3A_73 = tpu.memref_squeeze %dma_wait3A_72 : memref<1x128xi32, #tpu.memory_space<vmem>> -> memref<128xi32, #tpu.memory_space<vmem>>
    %dma_wait3A_74 = arith.constant 0 : i32
    %dma_wait3A_75 = tpu.memref_slice %arg2[%dma_wait3A_74] : memref<10000000xf32, #tpu.memory_space<hbm>> -> memref<10000000xf32, #tpu.memory_space<hbm>>
    tpu.wait_indirect_dma semaphore(%arg26 : memref<!tpu.dma_semaphore, #tpu.memory_space<semaphore_mem>>) src(%dma_wait3A_75 : memref<10000000xf32, #tpu.memory_space<hbm>>) dst(%arg15 : memref<128xf32, #tpu.memory_space<vmem>>)
    %dma_wait3A_76 = arith.constant 0 : i32
    %dma_wait3A_77 = arith.constant 0 : i32
    %dma_wait3A_78 = tpu.memref_slice %arg6[%dma_wait3A_76, %dma_wait3A_77] : memref<4x128xi32, #tpu.memory_space<vmem>> -> memref<1x128xi32, #tpu.memory_space<vmem>>
    %dma_wait3A_79 = tpu.memref_squeeze %dma_wait3A_78 : memref<1x128xi32, #tpu.memory_space<vmem>> -> memref<128xi32, #tpu.memory_space<vmem>>
    %dma_wait3A_80 = arith.constant 0 : i32
    %dma_wait3A_81 = tpu.memref_slice %arg2[%dma_wait3A_80] : memref<10000000xf32, #tpu.memory_space<hbm>> -> memref<10000000xf32, #tpu.memory_space<hbm>>
    tpu.wait_indirect_dma semaphore(%arg26 : memref<!tpu.dma_semaphore, #tpu.memory_space<semaphore_mem>>) src(%dma_wait3A_81 : memref<10000000xf32, #tpu.memory_space<hbm>>) dst(%arg16 : memref<128xf32, #tpu.memory_space<vmem>>)
    %dma_wait3A_82 = arith.constant 0 : i32
    %dma_wait3A_83 = arith.constant 0 : i32
    %dma_wait3A_84 = tpu.memref_slice %arg7[%dma_wait3A_82, %dma_wait3A_83] : memref<4x128xi32, #tpu.memory_space<vmem>> -> memref<1x128xi32, #tpu.memory_space<vmem>>
    %dma_wait3A_85 = tpu.memref_squeeze %dma_wait3A_84 : memref<1x128xi32, #tpu.memory_space<vmem>> -> memref<128xi32, #tpu.memory_space<vmem>>
    %dma_wait3A_86 = arith.constant 0 : i32
    %dma_wait3A_87 = tpu.memref_slice %arg2[%dma_wait3A_86] : memref<10000000xf32, #tpu.memory_space<hbm>> -> memref<10000000xf32, #tpu.memory_space<hbm>>
    tpu.wait_indirect_dma semaphore(%arg26 : memref<!tpu.dma_semaphore, #tpu.memory_space<semaphore_mem>>) src(%dma_wait3A_87 : memref<10000000xf32, #tpu.memory_space<hbm>>) dst(%arg17 : memref<128xf32, #tpu.memory_space<vmem>>)
    %dma_wait3A_88 = arith.constant 0 : i32
    %dma_wait3A_89 = arith.constant 0 : i32
    %dma_wait3A_90 = tpu.memref_slice %arg8[%dma_wait3A_88, %dma_wait3A_89] : memref<4x128xi32, #tpu.memory_space<vmem>> -> memref<1x128xi32, #tpu.memory_space<vmem>>
    %dma_wait3A_91 = tpu.memref_squeeze %dma_wait3A_90 : memref<1x128xi32, #tpu.memory_space<vmem>> -> memref<128xi32, #tpu.memory_space<vmem>>
    %dma_wait3A_92 = arith.constant 0 : i32
    %dma_wait3A_93 = tpu.memref_slice %arg2[%dma_wait3A_92] : memref<10000000xf32, #tpu.memory_space<hbm>> -> memref<10000000xf32, #tpu.memory_space<hbm>>
    tpu.wait_indirect_dma semaphore(%arg26 : memref<!tpu.dma_semaphore, #tpu.memory_space<semaphore_mem>>) src(%dma_wait3A_93 : memref<10000000xf32, #tpu.memory_space<hbm>>) dst(%arg18 : memref<128xf32, #tpu.memory_space<vmem>>)
    %dma_wait3A_94 = arith.constant 0 : i32
    %dma_wait3A_95 = arith.constant 0 : i32
    %dma_wait3A_96 = tpu.memref_slice %arg9[%dma_wait3A_94, %dma_wait3A_95] : memref<4x128xi32, #tpu.memory_space<vmem>> -> memref<1x128xi32, #tpu.memory_space<vmem>>
    %dma_wait3A_97 = tpu.memref_squeeze %dma_wait3A_96 : memref<1x128xi32, #tpu.memory_space<vmem>> -> memref<128xi32, #tpu.memory_space<vmem>>
    %dma_wait3A_98 = arith.constant 0 : i32
    %dma_wait3A_99 = tpu.memref_slice %arg2[%dma_wait3A_98] : memref<10000000xf32, #tpu.memory_space<hbm>> -> memref<10000000xf32, #tpu.memory_space<hbm>>
    tpu.wait_indirect_dma semaphore(%arg26 : memref<!tpu.dma_semaphore, #tpu.memory_space<semaphore_mem>>) src(%dma_wait3A_99 : memref<10000000xf32, #tpu.memory_space<hbm>>) dst(%arg19 : memref<128xf32, #tpu.memory_space<vmem>>)
    %dma_wait3A_100 = arith.constant 0 : i32
    %dma_wait3A_101 = arith.constant 0 : i32
    %dma_wait3A_102 = tpu.memref_slice %arg10[%dma_wait3A_100, %dma_wait3A_101] : memref<4x128xi32, #tpu.memory_space<vmem>> -> memref<1x128xi32, #tpu.memory_space<vmem>>
    %dma_wait3A_103 = tpu.memref_squeeze %dma_wait3A_102 : memref<1x128xi32, #tpu.memory_space<vmem>> -> memref<128xi32, #tpu.memory_space<vmem>>
    %dma_wait3A_104 = arith.constant 0 : i32
    %dma_wait3A_105 = tpu.memref_slice %arg2[%dma_wait3A_104] : memref<10000000xf32, #tpu.memory_space<hbm>> -> memref<10000000xf32, #tpu.memory_space<hbm>>
    tpu.wait_indirect_dma semaphore(%arg26 : memref<!tpu.dma_semaphore, #tpu.memory_space<semaphore_mem>>) src(%dma_wait3A_105 : memref<10000000xf32, #tpu.memory_space<hbm>>) dst(%arg20 : memref<128xf32, #tpu.memory_space<vmem>>)
    %dma_wait3A_106 = arith.constant 0 : i32
    %dma_wait3A_107 = arith.constant 0 : i32
    %dma_wait3A_108 = tpu.memref_slice %arg11[%dma_wait3A_106, %dma_wait3A_107] : memref<4x128xi32, #tpu.memory_space<vmem>> -> memref<1x128xi32, #tpu.memory_space<vmem>>
    %dma_wait3A_109 = tpu.memref_squeeze %dma_wait3A_108 : memref<1x128xi32, #tpu.memory_space<vmem>> -> memref<128xi32, #tpu.memory_space<vmem>>
    %dma_wait3A_110 = arith.constant 0 : i32
    %dma_wait3A_111 = tpu.memref_slice %arg2[%dma_wait3A_110] : memref<10000000xf32, #tpu.memory_space<hbm>> -> memref<10000000xf32, #tpu.memory_space<hbm>>
    tpu.wait_indirect_dma semaphore(%arg26 : memref<!tpu.dma_semaphore, #tpu.memory_space<semaphore_mem>>) src(%dma_wait3A_111 : memref<10000000xf32, #tpu.memory_space<hbm>>) dst(%arg21 : memref<128xf32, #tpu.memory_space<vmem>>)
    %dma_wait3A_112 = arith.constant 0 : i32
    %dma_wait3A_113 = arith.constant 0 : i32
    %dma_wait3A_114 = tpu.memref_slice %arg12[%dma_wait3A_112, %dma_wait3A_113] : memref<4x128xi32, #tpu.memory_space<vmem>> -> memref<1x128xi32, #tpu.memory_space<vmem>>
    %dma_wait3A_115 = tpu.memref_squeeze %dma_wait3A_114 : memref<1x128xi32, #tpu.memory_space<vmem>> -> memref<128xi32, #tpu.memory_space<vmem>>
    %dma_wait3A_116 = arith.constant 0 : i32
    %dma_wait3A_117 = tpu.memref_slice %arg2[%dma_wait3A_116] : memref<10000000xf32, #tpu.memory_space<hbm>> -> memref<10000000xf32, #tpu.memory_space<hbm>>
    tpu.wait_indirect_dma semaphore(%arg26 : memref<!tpu.dma_semaphore, #tpu.memory_space<semaphore_mem>>) src(%dma_wait3A_117 : memref<10000000xf32, #tpu.memory_space<hbm>>) dst(%arg22 : memref<128xf32, #tpu.memory_space<vmem>>)
    %dma_wait3A_118 = arith.constant 0 : i32
    %dma_wait3A_119 = arith.constant 0 : i32
    %dma_wait3A_120 = tpu.memref_slice %arg13[%dma_wait3A_118, %dma_wait3A_119] : memref<4x128xi32, #tpu.memory_space<vmem>> -> memref<1x128xi32, #tpu.memory_space<vmem>>
    %dma_wait3A_121 = tpu.memref_squeeze %dma_wait3A_120 : memref<1x128xi32, #tpu.memory_space<vmem>> -> memref<128xi32, #tpu.memory_space<vmem>>
    %dma_wait3A_122 = arith.constant 0 : i32
    %dma_wait3A_123 = tpu.memref_slice %arg2[%dma_wait3A_122] : memref<10000000xf32, #tpu.memory_space<hbm>> -> memref<10000000xf32, #tpu.memory_space<hbm>>
    tpu.wait_indirect_dma semaphore(%arg26 : memref<!tpu.dma_semaphore, #tpu.memory_space<semaphore_mem>>) src(%dma_wait3A_123 : memref<10000000xf32, #tpu.memory_space<hbm>>) dst(%arg23 : memref<128xf32, #tpu.memory_space<vmem>>)
    %dma_wait3A_124 = arith.constant 0 : i32
    %dma_wait3A_125 = arith.constant 0 : i32
    %dma_wait3A_126 = tpu.memref_slice %arg14[%dma_wait3A_124, %dma_wait3A_125] : memref<4x128xi32, #tpu.memory_space<vmem>> -> memref<1x128xi32, #tpu.memory_space<vmem>>
    %dma_wait3A_127 = tpu.memref_squeeze %dma_wait3A_126 : memref<1x128xi32, #tpu.memory_space<vmem>> -> memref<128xi32, #tpu.memory_space<vmem>>
    %dma_wait3A_128 = arith.constant 0 : i32
    %dma_wait3A_129 = tpu.memref_slice %arg2[%dma_wait3A_128] : memref<10000000xf32, #tpu.memory_space<hbm>> -> memref<10000000xf32, #tpu.memory_space<hbm>>
    tpu.wait_indirect_dma semaphore(%arg26 : memref<!tpu.dma_semaphore, #tpu.memory_space<semaphore_mem>>) src(%dma_wait3A_129 : memref<10000000xf32, #tpu.memory_space<hbm>>) dst(%arg24 : memref<128xf32, #tpu.memory_space<vmem>>)
    %scan3A = arith.constant 0 : i32
    %scan3A_130 = arith.constant 0 : i32
    %scan3A_131 = arith.constant 8 : i32
    %scan3A_132 = arith.addi %scan3A_130, %scan3A_131 : i32
    %scan3A_133 = arith.constant 1 : i32
    scf.for %scan3A_537 = %scan3A_130 to %scan3A_132 step %scan3A_133  : i32 {
      %mul3A_538 = arith.constant 16 : i32
      %mul3A_539 = arith.muli %scan3A_537, %mul3A_538 : i32
      %add3A_540 = vector.broadcast %mul3A_539 : i32 to vector<16xi32>
      %add3A_541 = arith.addi %add3A_540, %iota3A : vector<16xi32>
      %get3A = arith.index_cast %mul3A_539 : i32 to index
      %get3A_542 = tpu.vector_load %arg15[%get3A] {strides = array<i32>} : memref<128xf32, #tpu.memory_space<vmem>>, vector<16xf32>,
      %mul3A_543 = arith.constant 16 : i32
      %mul3A_544 = vector.broadcast %mul3A_543 : i32 to vector<16xi32>
      %mul3A_545 = arith.muli %add3A_541, %mul3A_544 : vector<16xi32>
      %add3A_546 = arith.constant 0 : i32
      %add3A_547 = vector.broadcast %add3A_546 : i32 to vector<16xi32>
      %add3A_548 = arith.addi %mul3A_545, %add3A_547 : vector<16xi32>
      tpu.vector_store_idx %arg25[%add3A_548], %get3A_542 : memref<2048xf32, #tpu.memory_space<vmem>>[vector<16xi32>], vector<16xf32>,
      %get3A_549 = arith.index_cast %mul3A_539 : i32 to index
      %get3A_550 = tpu.vector_load %arg16[%get3A_549] {strides = array<i32>} : memref<128xf32, #tpu.memory_space<vmem>>, vector<16xf32>,
      %mul3A_551 = arith.constant 16 : i32
      %mul3A_552 = vector.broadcast %mul3A_551 : i32 to vector<16xi32>
      %mul3A_553 = arith.muli %add3A_541, %mul3A_552 : vector<16xi32>
      %add3A_554 = arith.constant 1 : i32
      %add3A_555 = vector.broadcast %add3A_554 : i32 to vector<16xi32>
      %add3A_556 = arith.addi %mul3A_553, %add3A_555 : vector<16xi32>
      tpu.vector_store_idx %arg25[%add3A_556], %get3A_550 : memref<2048xf32, #tpu.memory_space<vmem>>[vector<16xi32>], vector<16xf32>,
      %get3A_557 = arith.index_cast %mul3A_539 : i32 to index
      %get3A_558 = tpu.vector_load %arg17[%get3A_557] {strides = array<i32>} : memref<128xf32, #tpu.memory_space<vmem>>, vector<16xf32>,
      %mul3A_559 = arith.constant 16 : i32
      %mul3A_560 = vector.broadcast %mul3A_559 : i32 to vector<16xi32>
      %mul3A_561 = arith.muli %add3A_541, %mul3A_560 : vector<16xi32>
      %add3A_562 = arith.constant 2 : i32
      %add3A_563 = vector.broadcast %add3A_562 : i32 to vector<16xi32>
      %add3A_564 = arith.addi %mul3A_561, %add3A_563 : vector<16xi32>
      tpu.vector_store_idx %arg25[%add3A_564], %get3A_558 : memref<2048xf32, #tpu.memory_space<vmem>>[vector<16xi32>], vector<16xf32>,
      %get3A_565 = arith.index_cast %mul3A_539 : i32 to index
      %get3A_566 = tpu.vector_load %arg18[%get3A_565] {strides = array<i32>} : memref<128xf32, #tpu.memory_space<vmem>>, vector<16xf32>,
      %mul3A_567 = arith.constant 16 : i32
      %mul3A_568 = vector.broadcast %mul3A_567 : i32 to vector<16xi32>
      %mul3A_569 = arith.muli %add3A_541, %mul3A_568 : vector<16xi32>
      %add3A_570 = arith.constant 3 : i32
      %add3A_571 = vector.broadcast %add3A_570 : i32 to vector<16xi32>
      %add3A_572 = arith.addi %mul3A_569, %add3A_571 : vector<16xi32>
      tpu.vector_store_idx %arg25[%add3A_572], %get3A_566 : memref<2048xf32, #tpu.memory_space<vmem>>[vector<16xi32>], vector<16xf32>,
      %get3A_573 = arith.index_cast %mul3A_539 : i32 to index
      %get3A_574 = tpu.vector_load %arg19[%get3A_573] {strides = array<i32>} : memref<128xf32, #tpu.memory_space<vmem>>, vector<16xf32>,
      %mul3A_575 = arith.constant 16 : i32
      %mul3A_576 = vector.broadcast %mul3A_575 : i32 to vector<16xi32>
      %mul3A_577 = arith.muli %add3A_541, %mul3A_576 : vector<16xi32>
      %add3A_578 = arith.constant 4 : i32
      %add3A_579 = vector.broadcast %add3A_578 : i32 to vector<16xi32>
      %add3A_580 = arith.addi %mul3A_577, %add3A_579 : vector<16xi32>
      tpu.vector_store_idx %arg25[%add3A_580], %get3A_574 : memref<2048xf32, #tpu.memory_space<vmem>>[vector<16xi32>], vector<16xf32>,
      %get3A_581 = arith.index_cast %mul3A_539 : i32 to index
      %get3A_582 = tpu.vector_load %arg20[%get3A_581] {strides = array<i32>} : memref<128xf32, #tpu.memory_space<vmem>>, vector<16xf32>,
      %mul3A_583 = arith.constant 16 : i32
      %mul3A_584 = vector.broadcast %mul3A_583 : i32 to vector<16xi32>
      %mul3A_585 = arith.muli %add3A_541, %mul3A_584 : vector<16xi32>
      %add3A_586 = arith.constant 5 : i32
      %add3A_587 = vector.broadcast %add3A_586 : i32 to vector<16xi32>
      %add3A_588 = arith.addi %mul3A_585, %add3A_587 : vector<16xi32>
      tpu.vector_store_idx %arg25[%add3A_588], %get3A_582 : memref<2048xf32, #tpu.memory_space<vmem>>[vector<16xi32>], vector<16xf32>,
      %get3A_589 = arith.index_cast %mul3A_539 : i32 to index
      %get3A_590 = tpu.vector_load %arg21[%get3A_589] {strides = array<i32>} : memref<128xf32, #tpu.memory_space<vmem>>, vector<16xf32>,
      %mul3A_591 = arith.constant 16 : i32
      %mul3A_592 = vector.broadcast %mul3A_591 : i32 to vector<16xi32>
      %mul3A_593 = arith.muli %add3A_541, %mul3A_592 : vector<16xi32>
      %add3A_594 = arith.constant 6 : i32
      %add3A_595 = vector.broadcast %add3A_594 : i32 to vector<16xi32>
      %add3A_596 = arith.addi %mul3A_593, %add3A_595 : vector<16xi32>
      tpu.vector_store_idx %arg25[%add3A_596], %get3A_590 : memref<2048xf32, #tpu.memory_space<vmem>>[vector<16xi32>], vector<16xf32>,
      %get3A_597 = arith.index_cast %mul3A_539 : i32 to index
      %get3A_598 = tpu.vector_load %arg22[%get3A_597] {strides = array<i32>} : memref<128xf32, #tpu.memory_space<vmem>>, vector<16xf32>,
      %mul3A_599 = arith.constant 16 : i32
      %mul3A_600 = vector.broadcast %mul3A_599 : i32 to vector<16xi32>
      %mul3A_601 = arith.muli %add3A_541, %mul3A_600 : vector<16xi32>
      %add3A_602 = arith.constant 7 : i32
      %add3A_603 = vector.broadcast %add3A_602 : i32 to vector<16xi32>
      %add3A_604 = arith.addi %mul3A_601, %add3A_603 : vector<16xi32>
      tpu.vector_store_idx %arg25[%add3A_604], %get3A_598 : memref<2048xf32, #tpu.memory_space<vmem>>[vector<16xi32>], vector<16xf32>,
      %get3A_605 = arith.index_cast %mul3A_539 : i32 to index
      %get3A_606 = tpu.vector_load %arg23[%get3A_605] {strides = array<i32>} : memref<128xf32, #tpu.memory_space<vmem>>, vector<16xf32>,
      %mul3A_607 = arith.constant 16 : i32
      %mul3A_608 = vector.broadcast %mul3A_607 : i32 to vector<16xi32>
      %mul3A_609 = arith.muli %add3A_541, %mul3A_608 : vector<16xi32>
      %add3A_610 = arith.constant 8 : i32
      %add3A_611 = vector.broadcast %add3A_610 : i32 to vector<16xi32>
      %add3A_612 = arith.addi %mul3A_609, %add3A_611 : vector<16xi32>
      tpu.vector_store_idx %arg25[%add3A_612], %get3A_606 : memref<2048xf32, #tpu.memory_space<vmem>>[vector<16xi32>], vector<16xf32>,
      %get3A_613 = arith.index_cast %mul3A_539 : i32 to index
      %get3A_614 = tpu.vector_load %arg24[%get3A_613] {strides = array<i32>} : memref<128xf32, #tpu.memory_space<vmem>>, vector<16xf32>,
      %mul3A_615 = arith.constant 16 : i32
      %mul3A_616 = vector.broadcast %mul3A_615 : i32 to vector<16xi32>
      %mul3A_617 = arith.muli %add3A_541, %mul3A_616 : vector<16xi32>
      %add3A_618 = arith.constant 9 : i32
      %add3A_619 = vector.broadcast %add3A_618 : i32 to vector<16xi32>
      %add3A_620 = arith.addi %mul3A_617, %add3A_619 : vector<16xi32>
      tpu.vector_store_idx %arg25[%add3A_620], %get3A_614 : memref<2048xf32, #tpu.memory_space<vmem>>[vector<16xi32>], vector<16xf32>,
    }
    %scan3A_134 = arith.constant 8 : i32
    %add3A_135 = arith.constant 0 : i32
    %add3A_136 = arith.addi %mul3A_2, %add3A_135 : i32
    %mul3A_137 = arith.constant 128 : i32
    %mul3A_138 = arith.muli %add3A_136, %mul3A_137 : i32
    %mul3A_139 = arith.constant 16 : i32
    %mul3A_140 = arith.muli %mul3A_138, %mul3A_139 : i32
    "tpu.region"() ({
      %run_scoped3A_537 = tpu.sem_alloc : memref<!tpu.dma_semaphore, #tpu.memory_space<semaphore_mem>>
      %dma_start3A_538 = tpu.memref_slice %arg4[%mul3A_140] : memref<262144xf32, #tpu.memory_space<hbm>> -> memref<2048xf32, #tpu.memory_space<hbm>>
      %dma_start3A_539 = tpu.memref_slice %arg4[%mul3A_140] : memref<262144xf32, #tpu.memory_space<hbm>> -> memref<2048xf32, #tpu.memory_space<hbm>>
      tpu.enqueue_dma source(%arg25 : memref<2048xf32, #tpu.memory_space<vmem>>) target(%dma_start3A_539 : memref<2048xf32, #tpu.memory_space<hbm>>) target_semaphore(%run_scoped3A_537 : memref<!tpu.dma_semaphore, #tpu.memory_space<semaphore_mem>>)
      %dma_wait3A_540 = tpu.memref_slice %arg4[%mul3A_140] : memref<262144xf32, #tpu.memory_space<hbm>> -> memref<2048xf32, #tpu.memory_space<hbm>>
      %dma_wait3A_541 = tpu.memref_slice %arg4[%mul3A_140] : memref<262144xf32, #tpu.memory_space<hbm>> -> memref<2048xf32, #tpu.memory_space<hbm>>
      tpu.wait_dma2 semaphore(%run_scoped3A_537 : memref<!tpu.dma_semaphore, #tpu.memory_space<semaphore_mem>>) src(%arg25 : memref<2048xf32, #tpu.memory_space<vmem>>) dst(%dma_wait3A_541 : memref<2048xf32, #tpu.memory_space<hbm>>)
      tpu.yield
    }) : () -> ()
    %dma_start3A_141 = arith.constant 1 : i32
    %dma_start3A_142 = arith.constant 0 : i32
    %dma_start3A_143 = tpu.memref_slice %arg5[%dma_start3A_141, %dma_start3A_142] : memref<4x128xi32, #tpu.memory_space<vmem>> -> memref<1x128xi32, #tpu.memory_space<vmem>>
    %dma_start3A_144 = tpu.memref_squeeze %dma_start3A_143 : memref<1x128xi32, #tpu.memory_space<vmem>> -> memref<128xi32, #tpu.memory_space<vmem>>
    %dma_start3A_145 = arith.constant 0 : i32
    %dma_start3A_146 = tpu.memref_slice %arg2[%dma_start3A_145] : memref<10000000xf32, #tpu.memory_space<hbm>> -> memref<10000000xf32, #tpu.memory_space<hbm>>
    tpu.enqueue_indirect_dma source(%dma_start3A_146 : memref<10000000xf32, #tpu.memory_space<hbm>>) target(%arg15 : memref<128xf32, #tpu.memory_space<vmem>>) offsets(%dma_start3A_144 : memref<128xi32, #tpu.memory_space<vmem>>) semaphore(%arg26 : memref<!tpu.dma_semaphore, #tpu.memory_space<semaphore_mem>>)
    %dma_start3A_147 = arith.constant 1 : i32
    %dma_start3A_148 = arith.constant 0 : i32
    %dma_start3A_149 = tpu.memref_slice %arg6[%dma_start3A_147, %dma_start3A_148] : memref<4x128xi32, #tpu.memory_space<vmem>> -> memref<1x128xi32, #tpu.memory_space<vmem>>
    %dma_start3A_150 = tpu.memref_squeeze %dma_start3A_149 : memref<1x128xi32, #tpu.memory_space<vmem>> -> memref<128xi32, #tpu.memory_space<vmem>>
    %dma_start3A_151 = arith.constant 0 : i32
    %dma_start3A_152 = tpu.memref_slice %arg2[%dma_start3A_151] : memref<10000000xf32, #tpu.memory_space<hbm>> -> memref<10000000xf32, #tpu.memory_space<hbm>>
    tpu.enqueue_indirect_dma source(%dma_start3A_152 : memref<10000000xf32, #tpu.memory_space<hbm>>) target(%arg16 : memref<128xf32, #tpu.memory_space<vmem>>) offsets(%dma_start3A_150 : memref<128xi32, #tpu.memory_space<vmem>>) semaphore(%arg26 : memref<!tpu.dma_semaphore, #tpu.memory_space<semaphore_mem>>)
    %dma_start3A_153 = arith.constant 1 : i32
    %dma_start3A_154 = arith.constant 0 : i32
    %dma_start3A_155 = tpu.memref_slice %arg7[%dma_start3A_153, %dma_start3A_154] : memref<4x128xi32, #tpu.memory_space<vmem>> -> memref<1x128xi32, #tpu.memory_space<vmem>>
    %dma_start3A_156 = tpu.memref_squeeze %dma_start3A_155 : memref<1x128xi32, #tpu.memory_space<vmem>> -> memref<128xi32, #tpu.memory_space<vmem>>
    %dma_start3A_157 = arith.constant 0 : i32
    %dma_start3A_158 = tpu.memref_slice %arg2[%dma_start3A_157] : memref<10000000xf32, #tpu.memory_space<hbm>> -> memref<10000000xf32, #tpu.memory_space<hbm>>
    tpu.enqueue_indirect_dma source(%dma_start3A_158 : memref<10000000xf32, #tpu.memory_space<hbm>>) target(%arg17 : memref<128xf32, #tpu.memory_space<vmem>>) offsets(%dma_start3A_156 : memref<128xi32, #tpu.memory_space<vmem>>) semaphore(%arg26 : memref<!tpu.dma_semaphore, #tpu.memory_space<semaphore_mem>>)
    %dma_start3A_159 = arith.constant 1 : i32
    %dma_start3A_160 = arith.constant 0 : i32
    %dma_start3A_161 = tpu.memref_slice %arg8[%dma_start3A_159, %dma_start3A_160] : memref<4x128xi32, #tpu.memory_space<vmem>> -> memref<1x128xi32, #tpu.memory_space<vmem>>
    %dma_start3A_162 = tpu.memref_squeeze %dma_start3A_161 : memref<1x128xi32, #tpu.memory_space<vmem>> -> memref<128xi32, #tpu.memory_space<vmem>>
    %dma_start3A_163 = arith.constant 0 : i32
    %dma_start3A_164 = tpu.memref_slice %arg2[%dma_start3A_163] : memref<10000000xf32, #tpu.memory_space<hbm>> -> memref<10000000xf32, #tpu.memory_space<hbm>>
    tpu.enqueue_indirect_dma source(%dma_start3A_164 : memref<10000000xf32, #tpu.memory_space<hbm>>) target(%arg18 : memref<128xf32, #tpu.memory_space<vmem>>) offsets(%dma_start3A_162 : memref<128xi32, #tpu.memory_space<vmem>>) semaphore(%arg26 : memref<!tpu.dma_semaphore, #tpu.memory_space<semaphore_mem>>)
    %dma_start3A_165 = arith.constant 1 : i32
    %dma_start3A_166 = arith.constant 0 : i32
    %dma_start3A_167 = tpu.memref_slice %arg9[%dma_start3A_165, %dma_start3A_166] : memref<4x128xi32, #tpu.memory_space<vmem>> -> memref<1x128xi32, #tpu.memory_space<vmem>>
    %dma_start3A_168 = tpu.memref_squeeze %dma_start3A_167 : memref<1x128xi32, #tpu.memory_space<vmem>> -> memref<128xi32, #tpu.memory_space<vmem>>
    %dma_start3A_169 = arith.constant 0 : i32
    %dma_start3A_170 = tpu.memref_slice %arg2[%dma_start3A_169] : memref<10000000xf32, #tpu.memory_space<hbm>> -> memref<10000000xf32, #tpu.memory_space<hbm>>
    tpu.enqueue_indirect_dma source(%dma_start3A_170 : memref<10000000xf32, #tpu.memory_space<hbm>>) target(%arg19 : memref<128xf32, #tpu.memory_space<vmem>>) offsets(%dma_start3A_168 : memref<128xi32, #tpu.memory_space<vmem>>) semaphore(%arg26 : memref<!tpu.dma_semaphore, #tpu.memory_space<semaphore_mem>>)
    %dma_start3A_171 = arith.constant 1 : i32
    %dma_start3A_172 = arith.constant 0 : i32
    %dma_start3A_173 = tpu.memref_slice %arg10[%dma_start3A_171, %dma_start3A_172] : memref<4x128xi32, #tpu.memory_space<vmem>> -> memref<1x128xi32, #tpu.memory_space<vmem>>
    %dma_start3A_174 = tpu.memref_squeeze %dma_start3A_173 : memref<1x128xi32, #tpu.memory_space<vmem>> -> memref<128xi32, #tpu.memory_space<vmem>>
    %dma_start3A_175 = arith.constant 0 : i32
    %dma_start3A_176 = tpu.memref_slice %arg2[%dma_start3A_175] : memref<10000000xf32, #tpu.memory_space<hbm>> -> memref<10000000xf32, #tpu.memory_space<hbm>>
    tpu.enqueue_indirect_dma source(%dma_start3A_176 : memref<10000000xf32, #tpu.memory_space<hbm>>) target(%arg20 : memref<128xf32, #tpu.memory_space<vmem>>) offsets(%dma_start3A_174 : memref<128xi32, #tpu.memory_space<vmem>>) semaphore(%arg26 : memref<!tpu.dma_semaphore, #tpu.memory_space<semaphore_mem>>)
    %dma_start3A_177 = arith.constant 1 : i32
    %dma_start3A_178 = arith.constant 0 : i32
    %dma_start3A_179 = tpu.memref_slice %arg11[%dma_start3A_177, %dma_start3A_178] : memref<4x128xi32, #tpu.memory_space<vmem>> -> memref<1x128xi32, #tpu.memory_space<vmem>>
    %dma_start3A_180 = tpu.memref_squeeze %dma_start3A_179 : memref<1x128xi32, #tpu.memory_space<vmem>> -> memref<128xi32, #tpu.memory_space<vmem>>
    %dma_start3A_181 = arith.constant 0 : i32
    %dma_start3A_182 = tpu.memref_slice %arg2[%dma_start3A_181] : memref<10000000xf32, #tpu.memory_space<hbm>> -> memref<10000000xf32, #tpu.memory_space<hbm>>
    tpu.enqueue_indirect_dma source(%dma_start3A_182 : memref<10000000xf32, #tpu.memory_space<hbm>>) target(%arg21 : memref<128xf32, #tpu.memory_space<vmem>>) offsets(%dma_start3A_180 : memref<128xi32, #tpu.memory_space<vmem>>) semaphore(%arg26 : memref<!tpu.dma_semaphore, #tpu.memory_space<semaphore_mem>>)
    %dma_start3A_183 = arith.constant 1 : i32
    %dma_start3A_184 = arith.constant 0 : i32
    %dma_start3A_185 = tpu.memref_slice %arg12[%dma_start3A_183, %dma_start3A_184] : memref<4x128xi32, #tpu.memory_space<vmem>> -> memref<1x128xi32, #tpu.memory_space<vmem>>
    %dma_start3A_186 = tpu.memref_squeeze %dma_start3A_185 : memref<1x128xi32, #tpu.memory_space<vmem>> -> memref<128xi32, #tpu.memory_space<vmem>>
    %dma_start3A_187 = arith.constant 0 : i32
    %dma_start3A_188 = tpu.memref_slice %arg2[%dma_start3A_187] : memref<10000000xf32, #tpu.memory_space<hbm>> -> memref<10000000xf32, #tpu.memory_space<hbm>>
    tpu.enqueue_indirect_dma source(%dma_start3A_188 : memref<10000000xf32, #tpu.memory_space<hbm>>) target(%arg22 : memref<128xf32, #tpu.memory_space<vmem>>) offsets(%dma_start3A_186 : memref<128xi32, #tpu.memory_space<vmem>>) semaphore(%arg26 : memref<!tpu.dma_semaphore, #tpu.memory_space<semaphore_mem>>)
    %dma_start3A_189 = arith.constant 1 : i32
    %dma_start3A_190 = arith.constant 0 : i32
    %dma_start3A_191 = tpu.memref_slice %arg13[%dma_start3A_189, %dma_start3A_190] : memref<4x128xi32, #tpu.memory_space<vmem>> -> memref<1x128xi32, #tpu.memory_space<vmem>>
    %dma_start3A_192 = tpu.memref_squeeze %dma_start3A_191 : memref<1x128xi32, #tpu.memory_space<vmem>> -> memref<128xi32, #tpu.memory_space<vmem>>
    %dma_start3A_193 = arith.constant 0 : i32
    %dma_start3A_194 = tpu.memref_slice %arg2[%dma_start3A_193] : memref<10000000xf32, #tpu.memory_space<hbm>> -> memref<10000000xf32, #tpu.memory_space<hbm>>
    tpu.enqueue_indirect_dma source(%dma_start3A_194 : memref<10000000xf32, #tpu.memory_space<hbm>>) target(%arg23 : memref<128xf32, #tpu.memory_space<vmem>>) offsets(%dma_start3A_192 : memref<128xi32, #tpu.memory_space<vmem>>) semaphore(%arg26 : memref<!tpu.dma_semaphore, #tpu.memory_space<semaphore_mem>>)
    %dma_start3A_195 = arith.constant 1 : i32
    %dma_start3A_196 = arith.constant 0 : i32
    %dma_start3A_197 = tpu.memref_slice %arg14[%dma_start3A_195, %dma_start3A_196] : memref<4x128xi32, #tpu.memory_space<vmem>> -> memref<1x128xi32, #tpu.memory_space<vmem>>
    %dma_start3A_198 = tpu.memref_squeeze %dma_start3A_197 : memref<1x128xi32, #tpu.memory_space<vmem>> -> memref<128xi32, #tpu.memory_space<vmem>>
    %dma_start3A_199 = arith.constant 0 : i32
    %dma_start3A_200 = tpu.memref_slice %arg2[%dma_start3A_199] : memref<10000000xf32, #tpu.memory_space<hbm>> -> memref<10000000xf32, #tpu.memory_space<hbm>>
    tpu.enqueue_indirect_dma source(%dma_start3A_200 : memref<10000000xf32, #tpu.memory_space<hbm>>) target(%arg24 : memref<128xf32, #tpu.memory_space<vmem>>) offsets(%dma_start3A_198 : memref<128xi32, #tpu.memory_space<vmem>>) semaphore(%arg26 : memref<!tpu.dma_semaphore, #tpu.memory_space<semaphore_mem>>)
    %dma_wait3A_201 = arith.constant 1 : i32
    %dma_wait3A_202 = arith.constant 0 : i32
    %dma_wait3A_203 = tpu.memref_slice %arg5[%dma_wait3A_201, %dma_wait3A_202] : memref<4x128xi32, #tpu.memory_space<vmem>> -> memref<1x128xi32, #tpu.memory_space<vmem>>
    %dma_wait3A_204 = tpu.memref_squeeze %dma_wait3A_203 : memref<1x128xi32, #tpu.memory_space<vmem>> -> memref<128xi32, #tpu.memory_space<vmem>>
    %dma_wait3A_205 = arith.constant 0 : i32
    %dma_wait3A_206 = tpu.memref_slice %arg2[%dma_wait3A_205] : memref<10000000xf32, #tpu.memory_space<hbm>> -> memref<10000000xf32, #tpu.memory_space<hbm>>
    tpu.wait_indirect_dma semaphore(%arg26 : memref<!tpu.dma_semaphore, #tpu.memory_space<semaphore_mem>>) src(%dma_wait3A_206 : memref<10000000xf32, #tpu.memory_space<hbm>>) dst(%arg15 : memref<128xf32, #tpu.memory_space<vmem>>)
    %dma_wait3A_207 = arith.constant 1 : i32
    %dma_wait3A_208 = arith.constant 0 : i32
    %dma_wait3A_209 = tpu.memref_slice %arg6[%dma_wait3A_207, %dma_wait3A_208] : memref<4x128xi32, #tpu.memory_space<vmem>> -> memref<1x128xi32, #tpu.memory_space<vmem>>
    %dma_wait3A_210 = tpu.memref_squeeze %dma_wait3A_209 : memref<1x128xi32, #tpu.memory_space<vmem>> -> memref<128xi32, #tpu.memory_space<vmem>>
    %dma_wait3A_211 = arith.constant 0 : i32
    %dma_wait3A_212 = tpu.memref_slice %arg2[%dma_wait3A_211] : memref<10000000xf32, #tpu.memory_space<hbm>> -> memref<10000000xf32, #tpu.memory_space<hbm>>
    tpu.wait_indirect_dma semaphore(%arg26 : memref<!tpu.dma_semaphore, #tpu.memory_space<semaphore_mem>>) src(%dma_wait3A_212 : memref<10000000xf32, #tpu.memory_space<hbm>>) dst(%arg16 : memref<128xf32, #tpu.memory_space<vmem>>)
    %dma_wait3A_213 = arith.constant 1 : i32
    %dma_wait3A_214 = arith.constant 0 : i32
    %dma_wait3A_215 = tpu.memref_slice %arg7[%dma_wait3A_213, %dma_wait3A_214] : memref<4x128xi32, #tpu.memory_space<vmem>> -> memref<1x128xi32, #tpu.memory_space<vmem>>
    %dma_wait3A_216 = tpu.memref_squeeze %dma_wait3A_215 : memref<1x128xi32, #tpu.memory_space<vmem>> -> memref<128xi32, #tpu.memory_space<vmem>>
    %dma_wait3A_217 = arith.constant 0 : i32
    %dma_wait3A_218 = tpu.memref_slice %arg2[%dma_wait3A_217] : memref<10000000xf32, #tpu.memory_space<hbm>> -> memref<10000000xf32, #tpu.memory_space<hbm>>
    tpu.wait_indirect_dma semaphore(%arg26 : memref<!tpu.dma_semaphore, #tpu.memory_space<semaphore_mem>>) src(%dma_wait3A_218 : memref<10000000xf32, #tpu.memory_space<hbm>>) dst(%arg17 : memref<128xf32, #tpu.memory_space<vmem>>)
    %dma_wait3A_219 = arith.constant 1 : i32
    %dma_wait3A_220 = arith.constant 0 : i32
    %dma_wait3A_221 = tpu.memref_slice %arg8[%dma_wait3A_219, %dma_wait3A_220] : memref<4x128xi32, #tpu.memory_space<vmem>> -> memref<1x128xi32, #tpu.memory_space<vmem>>
    %dma_wait3A_222 = tpu.memref_squeeze %dma_wait3A_221 : memref<1x128xi32, #tpu.memory_space<vmem>> -> memref<128xi32, #tpu.memory_space<vmem>>
    %dma_wait3A_223 = arith.constant 0 : i32
    %dma_wait3A_224 = tpu.memref_slice %arg2[%dma_wait3A_223] : memref<10000000xf32, #tpu.memory_space<hbm>> -> memref<10000000xf32, #tpu.memory_space<hbm>>
    tpu.wait_indirect_dma semaphore(%arg26 : memref<!tpu.dma_semaphore, #tpu.memory_space<semaphore_mem>>) src(%dma_wait3A_224 : memref<10000000xf32, #tpu.memory_space<hbm>>) dst(%arg18 : memref<128xf32, #tpu.memory_space<vmem>>)
    %dma_wait3A_225 = arith.constant 1 : i32
    %dma_wait3A_226 = arith.constant 0 : i32
    %dma_wait3A_227 = tpu.memref_slice %arg9[%dma_wait3A_225, %dma_wait3A_226] : memref<4x128xi32, #tpu.memory_space<vmem>> -> memref<1x128xi32, #tpu.memory_space<vmem>>
    %dma_wait3A_228 = tpu.memref_squeeze %dma_wait3A_227 : memref<1x128xi32, #tpu.memory_space<vmem>> -> memref<128xi32, #tpu.memory_space<vmem>>
    %dma_wait3A_229 = arith.constant 0 : i32
    %dma_wait3A_230 = tpu.memref_slice %arg2[%dma_wait3A_229] : memref<10000000xf32, #tpu.memory_space<hbm>> -> memref<10000000xf32, #tpu.memory_space<hbm>>
    tpu.wait_indirect_dma semaphore(%arg26 : memref<!tpu.dma_semaphore, #tpu.memory_space<semaphore_mem>>) src(%dma_wait3A_230 : memref<10000000xf32, #tpu.memory_space<hbm>>) dst(%arg19 : memref<128xf32, #tpu.memory_space<vmem>>)
    %dma_wait3A_231 = arith.constant 1 : i32
    %dma_wait3A_232 = arith.constant 0 : i32
    %dma_wait3A_233 = tpu.memref_slice %arg10[%dma_wait3A_231, %dma_wait3A_232] : memref<4x128xi32, #tpu.memory_space<vmem>> -> memref<1x128xi32, #tpu.memory_space<vmem>>
    %dma_wait3A_234 = tpu.memref_squeeze %dma_wait3A_233 : memref<1x128xi32, #tpu.memory_space<vmem>> -> memref<128xi32, #tpu.memory_space<vmem>>
    %dma_wait3A_235 = arith.constant 0 : i32
    %dma_wait3A_236 = tpu.memref_slice %arg2[%dma_wait3A_235] : memref<10000000xf32, #tpu.memory_space<hbm>> -> memref<10000000xf32, #tpu.memory_space<hbm>>
    tpu.wait_indirect_dma semaphore(%arg26 : memref<!tpu.dma_semaphore, #tpu.memory_space<semaphore_mem>>) src(%dma_wait3A_236 : memref<10000000xf32, #tpu.memory_space<hbm>>) dst(%arg20 : memref<128xf32, #tpu.memory_space<vmem>>)
    %dma_wait3A_237 = arith.constant 1 : i32
    %dma_wait3A_238 = arith.constant 0 : i32
    %dma_wait3A_239 = tpu.memref_slice %arg11[%dma_wait3A_237, %dma_wait3A_238] : memref<4x128xi32, #tpu.memory_space<vmem>> -> memref<1x128xi32, #tpu.memory_space<vmem>>
    %dma_wait3A_240 = tpu.memref_squeeze %dma_wait3A_239 : memref<1x128xi32, #tpu.memory_space<vmem>> -> memref<128xi32, #tpu.memory_space<vmem>>
    %dma_wait3A_241 = arith.constant 0 : i32
    %dma_wait3A_242 = tpu.memref_slice %arg2[%dma_wait3A_241] : memref<10000000xf32, #tpu.memory_space<hbm>> -> memref<10000000xf32, #tpu.memory_space<hbm>>
    tpu.wait_indirect_dma semaphore(%arg26 : memref<!tpu.dma_semaphore, #tpu.memory_space<semaphore_mem>>) src(%dma_wait3A_242 : memref<10000000xf32, #tpu.memory_space<hbm>>) dst(%arg21 : memref<128xf32, #tpu.memory_space<vmem>>)
    %dma_wait3A_243 = arith.constant 1 : i32
    %dma_wait3A_244 = arith.constant 0 : i32
    %dma_wait3A_245 = tpu.memref_slice %arg12[%dma_wait3A_243, %dma_wait3A_244] : memref<4x128xi32, #tpu.memory_space<vmem>> -> memref<1x128xi32, #tpu.memory_space<vmem>>
    %dma_wait3A_246 = tpu.memref_squeeze %dma_wait3A_245 : memref<1x128xi32, #tpu.memory_space<vmem>> -> memref<128xi32, #tpu.memory_space<vmem>>
    %dma_wait3A_247 = arith.constant 0 : i32
    %dma_wait3A_248 = tpu.memref_slice %arg2[%dma_wait3A_247] : memref<10000000xf32, #tpu.memory_space<hbm>> -> memref<10000000xf32, #tpu.memory_space<hbm>>
    tpu.wait_indirect_dma semaphore(%arg26 : memref<!tpu.dma_semaphore, #tpu.memory_space<semaphore_mem>>) src(%dma_wait3A_248 : memref<10000000xf32, #tpu.memory_space<hbm>>) dst(%arg22 : memref<128xf32, #tpu.memory_space<vmem>>)
    %dma_wait3A_249 = arith.constant 1 : i32
    %dma_wait3A_250 = arith.constant 0 : i32
    %dma_wait3A_251 = tpu.memref_slice %arg13[%dma_wait3A_249, %dma_wait3A_250] : memref<4x128xi32, #tpu.memory_space<vmem>> -> memref<1x128xi32, #tpu.memory_space<vmem>>
    %dma_wait3A_252 = tpu.memref_squeeze %dma_wait3A_251 : memref<1x128xi32, #tpu.memory_space<vmem>> -> memref<128xi32, #tpu.memory_space<vmem>>
    %dma_wait3A_253 = arith.constant 0 : i32
    %dma_wait3A_254 = tpu.memref_slice %arg2[%dma_wait3A_253] : memref<10000000xf32, #tpu.memory_space<hbm>> -> memref<10000000xf32, #tpu.memory_space<hbm>>
    tpu.wait_indirect_dma semaphore(%arg26 : memref<!tpu.dma_semaphore, #tpu.memory_space<semaphore_mem>>) src(%dma_wait3A_254 : memref<10000000xf32, #tpu.memory_space<hbm>>) dst(%arg23 : memref<128xf32, #tpu.memory_space<vmem>>)
    %dma_wait3A_255 = arith.constant 1 : i32
    %dma_wait3A_256 = arith.constant 0 : i32
    %dma_wait3A_257 = tpu.memref_slice %arg14[%dma_wait3A_255, %dma_wait3A_256] : memref<4x128xi32, #tpu.memory_space<vmem>> -> memref<1x128xi32, #tpu.memory_space<vmem>>
    %dma_wait3A_258 = tpu.memref_squeeze %dma_wait3A_257 : memref<1x128xi32, #tpu.memory_space<vmem>> -> memref<128xi32, #tpu.memory_space<vmem>>
    %dma_wait3A_259 = arith.constant 0 : i32
    %dma_wait3A_260 = tpu.memref_slice %arg2[%dma_wait3A_259] : memref<10000000xf32, #tpu.memory_space<hbm>> -> memref<10000000xf32, #tpu.memory_space<hbm>>
    tpu.wait_indirect_dma semaphore(%arg26 : memref<!tpu.dma_semaphore, #tpu.memory_space<semaphore_mem>>) src(%dma_wait3A_260 : memref<10000000xf32, #tpu.memory_space<hbm>>) dst(%arg24 : memref<128xf32, #tpu.memory_space<vmem>>)
    %scan3A_261 = arith.constant 0 : i32
    %scan3A_262 = arith.constant 0 : i32
    %scan3A_263 = arith.constant 8 : i32
    %scan3A_264 = arith.addi %scan3A_262, %scan3A_263 : i32
    %scan3A_265 = arith.constant 1 : i32
    scf.for %scan3A_537 = %scan3A_262 to %scan3A_264 step %scan3A_265  : i32 {
      %mul3A_538 = arith.constant 16 : i32
      %mul3A_539 = arith.muli %scan3A_537, %mul3A_538 : i32
      %add3A_540 = vector.broadcast %mul3A_539 : i32 to vector<16xi32>
      %add3A_541 = arith.addi %add3A_540, %iota3A : vector<16xi32>
      %get3A = arith.index_cast %mul3A_539 : i32 to index
      %get3A_542 = tpu.vector_load %arg15[%get3A] {strides = array<i32>} : memref<128xf32, #tpu.memory_space<vmem>>, vector<16xf32>,
      %mul3A_543 = arith.constant 16 : i32
      %mul3A_544 = vector.broadcast %mul3A_543 : i32 to vector<16xi32>
      %mul3A_545 = arith.muli %add3A_541, %mul3A_544 : vector<16xi32>
      %add3A_546 = arith.constant 0 : i32
      %add3A_547 = vector.broadcast %add3A_546 : i32 to vector<16xi32>
      %add3A_548 = arith.addi %mul3A_545, %add3A_547 : vector<16xi32>
      tpu.vector_store_idx %arg25[%add3A_548], %get3A_542 : memref<2048xf32, #tpu.memory_space<vmem>>[vector<16xi32>], vector<16xf32>,
      %get3A_549 = arith.index_cast %mul3A_539 : i32 to index
      %get3A_550 = tpu.vector_load %arg16[%get3A_549] {strides = array<i32>} : memref<128xf32, #tpu.memory_space<vmem>>, vector<16xf32>,
      %mul3A_551 = arith.constant 16 : i32
      %mul3A_552 = vector.broadcast %mul3A_551 : i32 to vector<16xi32>
      %mul3A_553 = arith.muli %add3A_541, %mul3A_552 : vector<16xi32>
      %add3A_554 = arith.constant 1 : i32
      %add3A_555 = vector.broadcast %add3A_554 : i32 to vector<16xi32>
      %add3A_556 = arith.addi %mul3A_553, %add3A_555 : vector<16xi32>
      tpu.vector_store_idx %arg25[%add3A_556], %get3A_550 : memref<2048xf32, #tpu.memory_space<vmem>>[vector<16xi32>], vector<16xf32>,
      %get3A_557 = arith.index_cast %mul3A_539 : i32 to index
      %get3A_558 = tpu.vector_load %arg17[%get3A_557] {strides = array<i32>} : memref<128xf32, #tpu.memory_space<vmem>>, vector<16xf32>,
      %mul3A_559 = arith.constant 16 : i32
      %mul3A_560 = vector.broadcast %mul3A_559 : i32 to vector<16xi32>
      %mul3A_561 = arith.muli %add3A_541, %mul3A_560 : vector<16xi32>
      %add3A_562 = arith.constant 2 : i32
      %add3A_563 = vector.broadcast %add3A_562 : i32 to vector<16xi32>
      %add3A_564 = arith.addi %mul3A_561, %add3A_563 : vector<16xi32>
      tpu.vector_store_idx %arg25[%add3A_564], %get3A_558 : memref<2048xf32, #tpu.memory_space<vmem>>[vector<16xi32>], vector<16xf32>,
      %get3A_565 = arith.index_cast %mul3A_539 : i32 to index
      %get3A_566 = tpu.vector_load %arg18[%get3A_565] {strides = array<i32>} : memref<128xf32, #tpu.memory_space<vmem>>, vector<16xf32>,
      %mul3A_567 = arith.constant 16 : i32
      %mul3A_568 = vector.broadcast %mul3A_567 : i32 to vector<16xi32>
      %mul3A_569 = arith.muli %add3A_541, %mul3A_568 : vector<16xi32>
      %add3A_570 = arith.constant 3 : i32
      %add3A_571 = vector.broadcast %add3A_570 : i32 to vector<16xi32>
      %add3A_572 = arith.addi %mul3A_569, %add3A_571 : vector<16xi32>
      tpu.vector_store_idx %arg25[%add3A_572], %get3A_566 : memref<2048xf32, #tpu.memory_space<vmem>>[vector<16xi32>], vector<16xf32>,
      %get3A_573 = arith.index_cast %mul3A_539 : i32 to index
      %get3A_574 = tpu.vector_load %arg19[%get3A_573] {strides = array<i32>} : memref<128xf32, #tpu.memory_space<vmem>>, vector<16xf32>,
      %mul3A_575 = arith.constant 16 : i32
      %mul3A_576 = vector.broadcast %mul3A_575 : i32 to vector<16xi32>
      %mul3A_577 = arith.muli %add3A_541, %mul3A_576 : vector<16xi32>
      %add3A_578 = arith.constant 4 : i32
      %add3A_579 = vector.broadcast %add3A_578 : i32 to vector<16xi32>
      %add3A_580 = arith.addi %mul3A_577, %add3A_579 : vector<16xi32>
      tpu.vector_store_idx %arg25[%add3A_580], %get3A_574 : memref<2048xf32, #tpu.memory_space<vmem>>[vector<16xi32>], vector<16xf32>,
      %get3A_581 = arith.index_cast %mul3A_539 : i32 to index
      %get3A_582 = tpu.vector_load %arg20[%get3A_581] {strides = array<i32>} : memref<128xf32, #tpu.memory_space<vmem>>, vector<16xf32>,
      %mul3A_583 = arith.constant 16 : i32
      %mul3A_584 = vector.broadcast %mul3A_583 : i32 to vector<16xi32>
      %mul3A_585 = arith.muli %add3A_541, %mul3A_584 : vector<16xi32>
      %add3A_586 = arith.constant 5 : i32
      %add3A_587 = vector.broadcast %add3A_586 : i32 to vector<16xi32>
      %add3A_588 = arith.addi %mul3A_585, %add3A_587 : vector<16xi32>
      tpu.vector_store_idx %arg25[%add3A_588], %get3A_582 : memref<2048xf32, #tpu.memory_space<vmem>>[vector<16xi32>], vector<16xf32>,
      %get3A_589 = arith.index_cast %mul3A_539 : i32 to index
      %get3A_590 = tpu.vector_load %arg21[%get3A_589] {strides = array<i32>} : memref<128xf32, #tpu.memory_space<vmem>>, vector<16xf32>,
      %mul3A_591 = arith.constant 16 : i32
      %mul3A_592 = vector.broadcast %mul3A_591 : i32 to vector<16xi32>
      %mul3A_593 = arith.muli %add3A_541, %mul3A_592 : vector<16xi32>
      %add3A_594 = arith.constant 6 : i32
      %add3A_595 = vector.broadcast %add3A_594 : i32 to vector<16xi32>
      %add3A_596 = arith.addi %mul3A_593, %add3A_595 : vector<16xi32>
      tpu.vector_store_idx %arg25[%add3A_596], %get3A_590 : memref<2048xf32, #tpu.memory_space<vmem>>[vector<16xi32>], vector<16xf32>,
      %get3A_597 = arith.index_cast %mul3A_539 : i32 to index
      %get3A_598 = tpu.vector_load %arg22[%get3A_597] {strides = array<i32>} : memref<128xf32, #tpu.memory_space<vmem>>, vector<16xf32>,
      %mul3A_599 = arith.constant 16 : i32
      %mul3A_600 = vector.broadcast %mul3A_599 : i32 to vector<16xi32>
      %mul3A_601 = arith.muli %add3A_541, %mul3A_600 : vector<16xi32>
      %add3A_602 = arith.constant 7 : i32
      %add3A_603 = vector.broadcast %add3A_602 : i32 to vector<16xi32>
      %add3A_604 = arith.addi %mul3A_601, %add3A_603 : vector<16xi32>
      tpu.vector_store_idx %arg25[%add3A_604], %get3A_598 : memref<2048xf32, #tpu.memory_space<vmem>>[vector<16xi32>], vector<16xf32>,
      %get3A_605 = arith.index_cast %mul3A_539 : i32 to index
      %get3A_606 = tpu.vector_load %arg23[%get3A_605] {strides = array<i32>} : memref<128xf32, #tpu.memory_space<vmem>>, vector<16xf32>,
      %mul3A_607 = arith.constant 16 : i32
      %mul3A_608 = vector.broadcast %mul3A_607 : i32 to vector<16xi32>
      %mul3A_609 = arith.muli %add3A_541, %mul3A_608 : vector<16xi32>
      %add3A_610 = arith.constant 8 : i32
      %add3A_611 = vector.broadcast %add3A_610 : i32 to vector<16xi32>
      %add3A_612 = arith.addi %mul3A_609, %add3A_611 : vector<16xi32>
      tpu.vector_store_idx %arg25[%add3A_612], %get3A_606 : memref<2048xf32, #tpu.memory_space<vmem>>[vector<16xi32>], vector<16xf32>,
      %get3A_613 = arith.index_cast %mul3A_539 : i32 to index
      %get3A_614 = tpu.vector_load %arg24[%get3A_613] {strides = array<i32>} : memref<128xf32, #tpu.memory_space<vmem>>, vector<16xf32>,
      %mul3A_615 = arith.constant 16 : i32
      %mul3A_616 = vector.broadcast %mul3A_615 : i32 to vector<16xi32>
      %mul3A_617 = arith.muli %add3A_541, %mul3A_616 : vector<16xi32>
      %add3A_618 = arith.constant 9 : i32
      %add3A_619 = vector.broadcast %add3A_618 : i32 to vector<16xi32>
      %add3A_620 = arith.addi %mul3A_617, %add3A_619 : vector<16xi32>
      tpu.vector_store_idx %arg25[%add3A_620], %get3A_614 : memref<2048xf32, #tpu.memory_space<vmem>>[vector<16xi32>], vector<16xf32>,
    }
    %scan3A_266 = arith.constant 8 : i32
    %add3A_267 = arith.constant 1 : i32
    %add3A_268 = arith.addi %mul3A_2, %add3A_267 : i32
    %mul3A_269 = arith.constant 128 : i32
    %mul3A_270 = arith.muli %add3A_268, %mul3A_269 : i32
    %mul3A_271 = arith.constant 16 : i32
    %mul3A_272 = arith.muli %mul3A_270, %mul3A_271 : i32
    "tpu.region"() ({
      %run_scoped3A_537 = tpu.sem_alloc : memref<!tpu.dma_semaphore, #tpu.memory_space<semaphore_mem>>
      %dma_start3A_538 = tpu.memref_slice %arg4[%mul3A_272] : memref<262144xf32, #tpu.memory_space<hbm>> -> memref<2048xf32, #tpu.memory_space<hbm>>
      %dma_start3A_539 = tpu.memref_slice %arg4[%mul3A_272] : memref<262144xf32, #tpu.memory_space<hbm>> -> memref<2048xf32, #tpu.memory_space<hbm>>
      tpu.enqueue_dma source(%arg25 : memref<2048xf32, #tpu.memory_space<vmem>>) target(%dma_start3A_539 : memref<2048xf32, #tpu.memory_space<hbm>>) target_semaphore(%run_scoped3A_537 : memref<!tpu.dma_semaphore, #tpu.memory_space<semaphore_mem>>)
      %dma_wait3A_540 = tpu.memref_slice %arg4[%mul3A_272] : memref<262144xf32, #tpu.memory_space<hbm>> -> memref<2048xf32, #tpu.memory_space<hbm>>
      %dma_wait3A_541 = tpu.memref_slice %arg4[%mul3A_272] : memref<262144xf32, #tpu.memory_space<hbm>> -> memref<2048xf32, #tpu.memory_space<hbm>>
      tpu.wait_dma2 semaphore(%run_scoped3A_537 : memref<!tpu.dma_semaphore, #tpu.memory_space<semaphore_mem>>) src(%arg25 : memref<2048xf32, #tpu.memory_space<vmem>>) dst(%dma_wait3A_541 : memref<2048xf32, #tpu.memory_space<hbm>>)
      tpu.yield
    }) : () -> ()
    %dma_start3A_273 = arith.constant 2 : i32
    %dma_start3A_274 = arith.constant 0 : i32
    %dma_start3A_275 = tpu.memref_slice %arg5[%dma_start3A_273, %dma_start3A_274] : memref<4x128xi32, #tpu.memory_space<vmem>> -> memref<1x128xi32, #tpu.memory_space<vmem>>
    %dma_start3A_276 = tpu.memref_squeeze %dma_start3A_275 : memref<1x128xi32, #tpu.memory_space<vmem>> -> memref<128xi32, #tpu.memory_space<vmem>>
    %dma_start3A_277 = arith.constant 0 : i32
    %dma_start3A_278 = tpu.memref_slice %arg2[%dma_start3A_277] : memref<10000000xf32, #tpu.memory_space<hbm>> -> memref<10000000xf32, #tpu.memory_space<hbm>>
    tpu.enqueue_indirect_dma source(%dma_start3A_278 : memref<10000000xf32, #tpu.memory_space<hbm>>) target(%arg15 : memref<128xf32, #tpu.memory_space<vmem>>) offsets(%dma_start3A_276 : memref<128xi32, #tpu.memory_space<vmem>>) semaphore(%arg26 : memref<!tpu.dma_semaphore, #tpu.memory_space<semaphore_mem>>)
    %dma_start3A_279 = arith.constant 2 : i32
    %dma_start3A_280 = arith.constant 0 : i32
    %dma_start3A_281 = tpu.memref_slice %arg6[%dma_start3A_279, %dma_start3A_280] : memref<4x128xi32, #tpu.memory_space<vmem>> -> memref<1x128xi32, #tpu.memory_space<vmem>>
    %dma_start3A_282 = tpu.memref_squeeze %dma_start3A_281 : memref<1x128xi32, #tpu.memory_space<vmem>> -> memref<128xi32, #tpu.memory_space<vmem>>
    %dma_start3A_283 = arith.constant 0 : i32
    %dma_start3A_284 = tpu.memref_slice %arg2[%dma_start3A_283] : memref<10000000xf32, #tpu.memory_space<hbm>> -> memref<10000000xf32, #tpu.memory_space<hbm>>
    tpu.enqueue_indirect_dma source(%dma_start3A_284 : memref<10000000xf32, #tpu.memory_space<hbm>>) target(%arg16 : memref<128xf32, #tpu.memory_space<vmem>>) offsets(%dma_start3A_282 : memref<128xi32, #tpu.memory_space<vmem>>) semaphore(%arg26 : memref<!tpu.dma_semaphore, #tpu.memory_space<semaphore_mem>>)
    %dma_start3A_285 = arith.constant 2 : i32
    %dma_start3A_286 = arith.constant 0 : i32
    %dma_start3A_287 = tpu.memref_slice %arg7[%dma_start3A_285, %dma_start3A_286] : memref<4x128xi32, #tpu.memory_space<vmem>> -> memref<1x128xi32, #tpu.memory_space<vmem>>
    %dma_start3A_288 = tpu.memref_squeeze %dma_start3A_287 : memref<1x128xi32, #tpu.memory_space<vmem>> -> memref<128xi32, #tpu.memory_space<vmem>>
    %dma_start3A_289 = arith.constant 0 : i32
    %dma_start3A_290 = tpu.memref_slice %arg2[%dma_start3A_289] : memref<10000000xf32, #tpu.memory_space<hbm>> -> memref<10000000xf32, #tpu.memory_space<hbm>>
    tpu.enqueue_indirect_dma source(%dma_start3A_290 : memref<10000000xf32, #tpu.memory_space<hbm>>) target(%arg17 : memref<128xf32, #tpu.memory_space<vmem>>) offsets(%dma_start3A_288 : memref<128xi32, #tpu.memory_space<vmem>>) semaphore(%arg26 : memref<!tpu.dma_semaphore, #tpu.memory_space<semaphore_mem>>)
    %dma_start3A_291 = arith.constant 2 : i32
    %dma_start3A_292 = arith.constant 0 : i32
    %dma_start3A_293 = tpu.memref_slice %arg8[%dma_start3A_291, %dma_start3A_292] : memref<4x128xi32, #tpu.memory_space<vmem>> -> memref<1x128xi32, #tpu.memory_space<vmem>>
    %dma_start3A_294 = tpu.memref_squeeze %dma_start3A_293 : memref<1x128xi32, #tpu.memory_space<vmem>> -> memref<128xi32, #tpu.memory_space<vmem>>
    %dma_start3A_295 = arith.constant 0 : i32
    %dma_start3A_296 = tpu.memref_slice %arg2[%dma_start3A_295] : memref<10000000xf32, #tpu.memory_space<hbm>> -> memref<10000000xf32, #tpu.memory_space<hbm>>
    tpu.enqueue_indirect_dma source(%dma_start3A_296 : memref<10000000xf32, #tpu.memory_space<hbm>>) target(%arg18 : memref<128xf32, #tpu.memory_space<vmem>>) offsets(%dma_start3A_294 : memref<128xi32, #tpu.memory_space<vmem>>) semaphore(%arg26 : memref<!tpu.dma_semaphore, #tpu.memory_space<semaphore_mem>>)
    %dma_start3A_297 = arith.constant 2 : i32
    %dma_start3A_298 = arith.constant 0 : i32
    %dma_start3A_299 = tpu.memref_slice %arg9[%dma_start3A_297, %dma_start3A_298] : memref<4x128xi32, #tpu.memory_space<vmem>> -> memref<1x128xi32, #tpu.memory_space<vmem>>
    %dma_start3A_300 = tpu.memref_squeeze %dma_start3A_299 : memref<1x128xi32, #tpu.memory_space<vmem>> -> memref<128xi32, #tpu.memory_space<vmem>>
    %dma_start3A_301 = arith.constant 0 : i32
    %dma_start3A_302 = tpu.memref_slice %arg2[%dma_start3A_301] : memref<10000000xf32, #tpu.memory_space<hbm>> -> memref<10000000xf32, #tpu.memory_space<hbm>>
    tpu.enqueue_indirect_dma source(%dma_start3A_302 : memref<10000000xf32, #tpu.memory_space<hbm>>) target(%arg19 : memref<128xf32, #tpu.memory_space<vmem>>) offsets(%dma_start3A_300 : memref<128xi32, #tpu.memory_space<vmem>>) semaphore(%arg26 : memref<!tpu.dma_semaphore, #tpu.memory_space<semaphore_mem>>)
    %dma_start3A_303 = arith.constant 2 : i32
    %dma_start3A_304 = arith.constant 0 : i32
    %dma_start3A_305 = tpu.memref_slice %arg10[%dma_start3A_303, %dma_start3A_304] : memref<4x128xi32, #tpu.memory_space<vmem>> -> memref<1x128xi32, #tpu.memory_space<vmem>>
    %dma_start3A_306 = tpu.memref_squeeze %dma_start3A_305 : memref<1x128xi32, #tpu.memory_space<vmem>> -> memref<128xi32, #tpu.memory_space<vmem>>
    %dma_start3A_307 = arith.constant 0 : i32
    %dma_start3A_308 = tpu.memref_slice %arg2[%dma_start3A_307] : memref<10000000xf32, #tpu.memory_space<hbm>> -> memref<10000000xf32, #tpu.memory_space<hbm>>
    tpu.enqueue_indirect_dma source(%dma_start3A_308 : memref<10000000xf32, #tpu.memory_space<hbm>>) target(%arg20 : memref<128xf32, #tpu.memory_space<vmem>>) offsets(%dma_start3A_306 : memref<128xi32, #tpu.memory_space<vmem>>) semaphore(%arg26 : memref<!tpu.dma_semaphore, #tpu.memory_space<semaphore_mem>>)
    %dma_start3A_309 = arith.constant 2 : i32
    %dma_start3A_310 = arith.constant 0 : i32
    %dma_start3A_311 = tpu.memref_slice %arg11[%dma_start3A_309, %dma_start3A_310] : memref<4x128xi32, #tpu.memory_space<vmem>> -> memref<1x128xi32, #tpu.memory_space<vmem>>
    %dma_start3A_312 = tpu.memref_squeeze %dma_start3A_311 : memref<1x128xi32, #tpu.memory_space<vmem>> -> memref<128xi32, #tpu.memory_space<vmem>>
    %dma_start3A_313 = arith.constant 0 : i32
    %dma_start3A_314 = tpu.memref_slice %arg2[%dma_start3A_313] : memref<10000000xf32, #tpu.memory_space<hbm>> -> memref<10000000xf32, #tpu.memory_space<hbm>>
    tpu.enqueue_indirect_dma source(%dma_start3A_314 : memref<10000000xf32, #tpu.memory_space<hbm>>) target(%arg21 : memref<128xf32, #tpu.memory_space<vmem>>) offsets(%dma_start3A_312 : memref<128xi32, #tpu.memory_space<vmem>>) semaphore(%arg26 : memref<!tpu.dma_semaphore, #tpu.memory_space<semaphore_mem>>)
    %dma_start3A_315 = arith.constant 2 : i32
    %dma_start3A_316 = arith.constant 0 : i32
    %dma_start3A_317 = tpu.memref_slice %arg12[%dma_start3A_315, %dma_start3A_316] : memref<4x128xi32, #tpu.memory_space<vmem>> -> memref<1x128xi32, #tpu.memory_space<vmem>>
    %dma_start3A_318 = tpu.memref_squeeze %dma_start3A_317 : memref<1x128xi32, #tpu.memory_space<vmem>> -> memref<128xi32, #tpu.memory_space<vmem>>
    %dma_start3A_319 = arith.constant 0 : i32
    %dma_start3A_320 = tpu.memref_slice %arg2[%dma_start3A_319] : memref<10000000xf32, #tpu.memory_space<hbm>> -> memref<10000000xf32, #tpu.memory_space<hbm>>
    tpu.enqueue_indirect_dma source(%dma_start3A_320 : memref<10000000xf32, #tpu.memory_space<hbm>>) target(%arg22 : memref<128xf32, #tpu.memory_space<vmem>>) offsets(%dma_start3A_318 : memref<128xi32, #tpu.memory_space<vmem>>) semaphore(%arg26 : memref<!tpu.dma_semaphore, #tpu.memory_space<semaphore_mem>>)
    %dma_start3A_321 = arith.constant 2 : i32
    %dma_start3A_322 = arith.constant 0 : i32
    %dma_start3A_323 = tpu.memref_slice %arg13[%dma_start3A_321, %dma_start3A_322] : memref<4x128xi32, #tpu.memory_space<vmem>> -> memref<1x128xi32, #tpu.memory_space<vmem>>
    %dma_start3A_324 = tpu.memref_squeeze %dma_start3A_323 : memref<1x128xi32, #tpu.memory_space<vmem>> -> memref<128xi32, #tpu.memory_space<vmem>>
    %dma_start3A_325 = arith.constant 0 : i32
    %dma_start3A_326 = tpu.memref_slice %arg2[%dma_start3A_325] : memref<10000000xf32, #tpu.memory_space<hbm>> -> memref<10000000xf32, #tpu.memory_space<hbm>>
    tpu.enqueue_indirect_dma source(%dma_start3A_326 : memref<10000000xf32, #tpu.memory_space<hbm>>) target(%arg23 : memref<128xf32, #tpu.memory_space<vmem>>) offsets(%dma_start3A_324 : memref<128xi32, #tpu.memory_space<vmem>>) semaphore(%arg26 : memref<!tpu.dma_semaphore, #tpu.memory_space<semaphore_mem>>)
    %dma_start3A_327 = arith.constant 2 : i32
    %dma_start3A_328 = arith.constant 0 : i32
    %dma_start3A_329 = tpu.memref_slice %arg14[%dma_start3A_327, %dma_start3A_328] : memref<4x128xi32, #tpu.memory_space<vmem>> -> memref<1x128xi32, #tpu.memory_space<vmem>>
    %dma_start3A_330 = tpu.memref_squeeze %dma_start3A_329 : memref<1x128xi32, #tpu.memory_space<vmem>> -> memref<128xi32, #tpu.memory_space<vmem>>
    %dma_start3A_331 = arith.constant 0 : i32
    %dma_start3A_332 = tpu.memref_slice %arg2[%dma_start3A_331] : memref<10000000xf32, #tpu.memory_space<hbm>> -> memref<10000000xf32, #tpu.memory_space<hbm>>
    tpu.enqueue_indirect_dma source(%dma_start3A_332 : memref<10000000xf32, #tpu.memory_space<hbm>>) target(%arg24 : memref<128xf32, #tpu.memory_space<vmem>>) offsets(%dma_start3A_330 : memref<128xi32, #tpu.memory_space<vmem>>) semaphore(%arg26 : memref<!tpu.dma_semaphore, #tpu.memory_space<semaphore_mem>>)
    %dma_wait3A_333 = arith.constant 2 : i32
    %dma_wait3A_334 = arith.constant 0 : i32
    %dma_wait3A_335 = tpu.memref_slice %arg5[%dma_wait3A_333, %dma_wait3A_334] : memref<4x128xi32, #tpu.memory_space<vmem>> -> memref<1x128xi32, #tpu.memory_space<vmem>>
    %dma_wait3A_336 = tpu.memref_squeeze %dma_wait3A_335 : memref<1x128xi32, #tpu.memory_space<vmem>> -> memref<128xi32, #tpu.memory_space<vmem>>
    %dma_wait3A_337 = arith.constant 0 : i32
    %dma_wait3A_338 = tpu.memref_slice %arg2[%dma_wait3A_337] : memref<10000000xf32, #tpu.memory_space<hbm>> -> memref<10000000xf32, #tpu.memory_space<hbm>>
    tpu.wait_indirect_dma semaphore(%arg26 : memref<!tpu.dma_semaphore, #tpu.memory_space<semaphore_mem>>) src(%dma_wait3A_338 : memref<10000000xf32, #tpu.memory_space<hbm>>) dst(%arg15 : memref<128xf32, #tpu.memory_space<vmem>>)
    %dma_wait3A_339 = arith.constant 2 : i32
    %dma_wait3A_340 = arith.constant 0 : i32
    %dma_wait3A_341 = tpu.memref_slice %arg6[%dma_wait3A_339, %dma_wait3A_340] : memref<4x128xi32, #tpu.memory_space<vmem>> -> memref<1x128xi32, #tpu.memory_space<vmem>>
    %dma_wait3A_342 = tpu.memref_squeeze %dma_wait3A_341 : memref<1x128xi32, #tpu.memory_space<vmem>> -> memref<128xi32, #tpu.memory_space<vmem>>
    %dma_wait3A_343 = arith.constant 0 : i32
    %dma_wait3A_344 = tpu.memref_slice %arg2[%dma_wait3A_343] : memref<10000000xf32, #tpu.memory_space<hbm>> -> memref<10000000xf32, #tpu.memory_space<hbm>>
    tpu.wait_indirect_dma semaphore(%arg26 : memref<!tpu.dma_semaphore, #tpu.memory_space<semaphore_mem>>) src(%dma_wait3A_344 : memref<10000000xf32, #tpu.memory_space<hbm>>) dst(%arg16 : memref<128xf32, #tpu.memory_space<vmem>>)
    %dma_wait3A_345 = arith.constant 2 : i32
    %dma_wait3A_346 = arith.constant 0 : i32
    %dma_wait3A_347 = tpu.memref_slice %arg7[%dma_wait3A_345, %dma_wait3A_346] : memref<4x128xi32, #tpu.memory_space<vmem>> -> memref<1x128xi32, #tpu.memory_space<vmem>>
    %dma_wait3A_348 = tpu.memref_squeeze %dma_wait3A_347 : memref<1x128xi32, #tpu.memory_space<vmem>> -> memref<128xi32, #tpu.memory_space<vmem>>
    %dma_wait3A_349 = arith.constant 0 : i32
    %dma_wait3A_350 = tpu.memref_slice %arg2[%dma_wait3A_349] : memref<10000000xf32, #tpu.memory_space<hbm>> -> memref<10000000xf32, #tpu.memory_space<hbm>>
    tpu.wait_indirect_dma semaphore(%arg26 : memref<!tpu.dma_semaphore, #tpu.memory_space<semaphore_mem>>) src(%dma_wait3A_350 : memref<10000000xf32, #tpu.memory_space<hbm>>) dst(%arg17 : memref<128xf32, #tpu.memory_space<vmem>>)
    %dma_wait3A_351 = arith.constant 2 : i32
    %dma_wait3A_352 = arith.constant 0 : i32
    %dma_wait3A_353 = tpu.memref_slice %arg8[%dma_wait3A_351, %dma_wait3A_352] : memref<4x128xi32, #tpu.memory_space<vmem>> -> memref<1x128xi32, #tpu.memory_space<vmem>>
    %dma_wait3A_354 = tpu.memref_squeeze %dma_wait3A_353 : memref<1x128xi32, #tpu.memory_space<vmem>> -> memref<128xi32, #tpu.memory_space<vmem>>
    %dma_wait3A_355 = arith.constant 0 : i32
    %dma_wait3A_356 = tpu.memref_slice %arg2[%dma_wait3A_355] : memref<10000000xf32, #tpu.memory_space<hbm>> -> memref<10000000xf32, #tpu.memory_space<hbm>>
    tpu.wait_indirect_dma semaphore(%arg26 : memref<!tpu.dma_semaphore, #tpu.memory_space<semaphore_mem>>) src(%dma_wait3A_356 : memref<10000000xf32, #tpu.memory_space<hbm>>) dst(%arg18 : memref<128xf32, #tpu.memory_space<vmem>>)
    %dma_wait3A_357 = arith.constant 2 : i32
    %dma_wait3A_358 = arith.constant 0 : i32
    %dma_wait3A_359 = tpu.memref_slice %arg9[%dma_wait3A_357, %dma_wait3A_358] : memref<4x128xi32, #tpu.memory_space<vmem>> -> memref<1x128xi32, #tpu.memory_space<vmem>>
    %dma_wait3A_360 = tpu.memref_squeeze %dma_wait3A_359 : memref<1x128xi32, #tpu.memory_space<vmem>> -> memref<128xi32, #tpu.memory_space<vmem>>
    %dma_wait3A_361 = arith.constant 0 : i32
    %dma_wait3A_362 = tpu.memref_slice %arg2[%dma_wait3A_361] : memref<10000000xf32, #tpu.memory_space<hbm>> -> memref<10000000xf32, #tpu.memory_space<hbm>>
    tpu.wait_indirect_dma semaphore(%arg26 : memref<!tpu.dma_semaphore, #tpu.memory_space<semaphore_mem>>) src(%dma_wait3A_362 : memref<10000000xf32, #tpu.memory_space<hbm>>) dst(%arg19 : memref<128xf32, #tpu.memory_space<vmem>>)
    %dma_wait3A_363 = arith.constant 2 : i32
    %dma_wait3A_364 = arith.constant 0 : i32
    %dma_wait3A_365 = tpu.memref_slice %arg10[%dma_wait3A_363, %dma_wait3A_364] : memref<4x128xi32, #tpu.memory_space<vmem>> -> memref<1x128xi32, #tpu.memory_space<vmem>>
    %dma_wait3A_366 = tpu.memref_squeeze %dma_wait3A_365 : memref<1x128xi32, #tpu.memory_space<vmem>> -> memref<128xi32, #tpu.memory_space<vmem>>
    %dma_wait3A_367 = arith.constant 0 : i32
    %dma_wait3A_368 = tpu.memref_slice %arg2[%dma_wait3A_367] : memref<10000000xf32, #tpu.memory_space<hbm>> -> memref<10000000xf32, #tpu.memory_space<hbm>>
    tpu.wait_indirect_dma semaphore(%arg26 : memref<!tpu.dma_semaphore, #tpu.memory_space<semaphore_mem>>) src(%dma_wait3A_368 : memref<10000000xf32, #tpu.memory_space<hbm>>) dst(%arg20 : memref<128xf32, #tpu.memory_space<vmem>>)
    %dma_wait3A_369 = arith.constant 2 : i32
    %dma_wait3A_370 = arith.constant 0 : i32
    %dma_wait3A_371 = tpu.memref_slice %arg11[%dma_wait3A_369, %dma_wait3A_370] : memref<4x128xi32, #tpu.memory_space<vmem>> -> memref<1x128xi32, #tpu.memory_space<vmem>>
    %dma_wait3A_372 = tpu.memref_squeeze %dma_wait3A_371 : memref<1x128xi32, #tpu.memory_space<vmem>> -> memref<128xi32, #tpu.memory_space<vmem>>
    %dma_wait3A_373 = arith.constant 0 : i32
    %dma_wait3A_374 = tpu.memref_slice %arg2[%dma_wait3A_373] : memref<10000000xf32, #tpu.memory_space<hbm>> -> memref<10000000xf32, #tpu.memory_space<hbm>>
    tpu.wait_indirect_dma semaphore(%arg26 : memref<!tpu.dma_semaphore, #tpu.memory_space<semaphore_mem>>) src(%dma_wait3A_374 : memref<10000000xf32, #tpu.memory_space<hbm>>) dst(%arg21 : memref<128xf32, #tpu.memory_space<vmem>>)
    %dma_wait3A_375 = arith.constant 2 : i32
    %dma_wait3A_376 = arith.constant 0 : i32
    %dma_wait3A_377 = tpu.memref_slice %arg12[%dma_wait3A_375, %dma_wait3A_376] : memref<4x128xi32, #tpu.memory_space<vmem>> -> memref<1x128xi32, #tpu.memory_space<vmem>>
    %dma_wait3A_378 = tpu.memref_squeeze %dma_wait3A_377 : memref<1x128xi32, #tpu.memory_space<vmem>> -> memref<128xi32, #tpu.memory_space<vmem>>
    %dma_wait3A_379 = arith.constant 0 : i32
    %dma_wait3A_380 = tpu.memref_slice %arg2[%dma_wait3A_379] : memref<10000000xf32, #tpu.memory_space<hbm>> -> memref<10000000xf32, #tpu.memory_space<hbm>>
    tpu.wait_indirect_dma semaphore(%arg26 : memref<!tpu.dma_semaphore, #tpu.memory_space<semaphore_mem>>) src(%dma_wait3A_380 : memref<10000000xf32, #tpu.memory_space<hbm>>) dst(%arg22 : memref<128xf32, #tpu.memory_space<vmem>>)
    %dma_wait3A_381 = arith.constant 2 : i32
    %dma_wait3A_382 = arith.constant 0 : i32
    %dma_wait3A_383 = tpu.memref_slice %arg13[%dma_wait3A_381, %dma_wait3A_382] : memref<4x128xi32, #tpu.memory_space<vmem>> -> memref<1x128xi32, #tpu.memory_space<vmem>>
    %dma_wait3A_384 = tpu.memref_squeeze %dma_wait3A_383 : memref<1x128xi32, #tpu.memory_space<vmem>> -> memref<128xi32, #tpu.memory_space<vmem>>
    %dma_wait3A_385 = arith.constant 0 : i32
    %dma_wait3A_386 = tpu.memref_slice %arg2[%dma_wait3A_385] : memref<10000000xf32, #tpu.memory_space<hbm>> -> memref<10000000xf32, #tpu.memory_space<hbm>>
    tpu.wait_indirect_dma semaphore(%arg26 : memref<!tpu.dma_semaphore, #tpu.memory_space<semaphore_mem>>) src(%dma_wait3A_386 : memref<10000000xf32, #tpu.memory_space<hbm>>) dst(%arg23 : memref<128xf32, #tpu.memory_space<vmem>>)
    %dma_wait3A_387 = arith.constant 2 : i32
    %dma_wait3A_388 = arith.constant 0 : i32
    %dma_wait3A_389 = tpu.memref_slice %arg14[%dma_wait3A_387, %dma_wait3A_388] : memref<4x128xi32, #tpu.memory_space<vmem>> -> memref<1x128xi32, #tpu.memory_space<vmem>>
    %dma_wait3A_390 = tpu.memref_squeeze %dma_wait3A_389 : memref<1x128xi32, #tpu.memory_space<vmem>> -> memref<128xi32, #tpu.memory_space<vmem>>
    %dma_wait3A_391 = arith.constant 0 : i32
    %dma_wait3A_392 = tpu.memref_slice %arg2[%dma_wait3A_391] : memref<10000000xf32, #tpu.memory_space<hbm>> -> memref<10000000xf32, #tpu.memory_space<hbm>>
    tpu.wait_indirect_dma semaphore(%arg26 : memref<!tpu.dma_semaphore, #tpu.memory_space<semaphore_mem>>) src(%dma_wait3A_392 : memref<10000000xf32, #tpu.memory_space<hbm>>) dst(%arg24 : memref<128xf32, #tpu.memory_space<vmem>>)
    %scan3A_393 = arith.constant 0 : i32
    %scan3A_394 = arith.constant 0 : i32
    %scan3A_395 = arith.constant 8 : i32
    %scan3A_396 = arith.addi %scan3A_394, %scan3A_395 : i32
    %scan3A_397 = arith.constant 1 : i32
    scf.for %scan3A_537 = %scan3A_394 to %scan3A_396 step %scan3A_397  : i32 {
      %mul3A_538 = arith.constant 16 : i32
      %mul3A_539 = arith.muli %scan3A_537, %mul3A_538 : i32
      %add3A_540 = vector.broadcast %mul3A_539 : i32 to vector<16xi32>
      %add3A_541 = arith.addi %add3A_540, %iota3A : vector<16xi32>
      %get3A = arith.index_cast %mul3A_539 : i32 to index
      %get3A_542 = tpu.vector_load %arg15[%get3A] {strides = array<i32>} : memref<128xf32, #tpu.memory_space<vmem>>, vector<16xf32>,
      %mul3A_543 = arith.constant 16 : i32
      %mul3A_544 = vector.broadcast %mul3A_543 : i32 to vector<16xi32>
      %mul3A_545 = arith.muli %add3A_541, %mul3A_544 : vector<16xi32>
      %add3A_546 = arith.constant 0 : i32
      %add3A_547 = vector.broadcast %add3A_546 : i32 to vector<16xi32>
      %add3A_548 = arith.addi %mul3A_545, %add3A_547 : vector<16xi32>
      tpu.vector_store_idx %arg25[%add3A_548], %get3A_542 : memref<2048xf32, #tpu.memory_space<vmem>>[vector<16xi32>], vector<16xf32>,
      %get3A_549 = arith.index_cast %mul3A_539 : i32 to index
      %get3A_550 = tpu.vector_load %arg16[%get3A_549] {strides = array<i32>} : memref<128xf32, #tpu.memory_space<vmem>>, vector<16xf32>,
      %mul3A_551 = arith.constant 16 : i32
      %mul3A_552 = vector.broadcast %mul3A_551 : i32 to vector<16xi32>
      %mul3A_553 = arith.muli %add3A_541, %mul3A_552 : vector<16xi32>
      %add3A_554 = arith.constant 1 : i32
      %add3A_555 = vector.broadcast %add3A_554 : i32 to vector<16xi32>
      %add3A_556 = arith.addi %mul3A_553, %add3A_555 : vector<16xi32>
      tpu.vector_store_idx %arg25[%add3A_556], %get3A_550 : memref<2048xf32, #tpu.memory_space<vmem>>[vector<16xi32>], vector<16xf32>,
      %get3A_557 = arith.index_cast %mul3A_539 : i32 to index
      %get3A_558 = tpu.vector_load %arg17[%get3A_557] {strides = array<i32>} : memref<128xf32, #tpu.memory_space<vmem>>, vector<16xf32>,
      %mul3A_559 = arith.constant 16 : i32
      %mul3A_560 = vector.broadcast %mul3A_559 : i32 to vector<16xi32>
      %mul3A_561 = arith.muli %add3A_541, %mul3A_560 : vector<16xi32>
      %add3A_562 = arith.constant 2 : i32
      %add3A_563 = vector.broadcast %add3A_562 : i32 to vector<16xi32>
      %add3A_564 = arith.addi %mul3A_561, %add3A_563 : vector<16xi32>
      tpu.vector_store_idx %arg25[%add3A_564], %get3A_558 : memref<2048xf32, #tpu.memory_space<vmem>>[vector<16xi32>], vector<16xf32>,
      %get3A_565 = arith.index_cast %mul3A_539 : i32 to index
      %get3A_566 = tpu.vector_load %arg18[%get3A_565] {strides = array<i32>} : memref<128xf32, #tpu.memory_space<vmem>>, vector<16xf32>,
      %mul3A_567 = arith.constant 16 : i32
      %mul3A_568 = vector.broadcast %mul3A_567 : i32 to vector<16xi32>
      %mul3A_569 = arith.muli %add3A_541, %mul3A_568 : vector<16xi32>
      %add3A_570 = arith.constant 3 : i32
      %add3A_571 = vector.broadcast %add3A_570 : i32 to vector<16xi32>
      %add3A_572 = arith.addi %mul3A_569, %add3A_571 : vector<16xi32>
      tpu.vector_store_idx %arg25[%add3A_572], %get3A_566 : memref<2048xf32, #tpu.memory_space<vmem>>[vector<16xi32>], vector<16xf32>,
      %get3A_573 = arith.index_cast %mul3A_539 : i32 to index
      %get3A_574 = tpu.vector_load %arg19[%get3A_573] {strides = array<i32>} : memref<128xf32, #tpu.memory_space<vmem>>, vector<16xf32>,
      %mul3A_575 = arith.constant 16 : i32
      %mul3A_576 = vector.broadcast %mul3A_575 : i32 to vector<16xi32>
      %mul3A_577 = arith.muli %add3A_541, %mul3A_576 : vector<16xi32>
      %add3A_578 = arith.constant 4 : i32
      %add3A_579 = vector.broadcast %add3A_578 : i32 to vector<16xi32>
      %add3A_580 = arith.addi %mul3A_577, %add3A_579 : vector<16xi32>
      tpu.vector_store_idx %arg25[%add3A_580], %get3A_574 : memref<2048xf32, #tpu.memory_space<vmem>>[vector<16xi32>], vector<16xf32>,
      %get3A_581 = arith.index_cast %mul3A_539 : i32 to index
      %get3A_582 = tpu.vector_load %arg20[%get3A_581] {strides = array<i32>} : memref<128xf32, #tpu.memory_space<vmem>>, vector<16xf32>,
      %mul3A_583 = arith.constant 16 : i32
      %mul3A_584 = vector.broadcast %mul3A_583 : i32 to vector<16xi32>
      %mul3A_585 = arith.muli %add3A_541, %mul3A_584 : vector<16xi32>
      %add3A_586 = arith.constant 5 : i32
      %add3A_587 = vector.broadcast %add3A_586 : i32 to vector<16xi32>
      %add3A_588 = arith.addi %mul3A_585, %add3A_587 : vector<16xi32>
      tpu.vector_store_idx %arg25[%add3A_588], %get3A_582 : memref<2048xf32, #tpu.memory_space<vmem>>[vector<16xi32>], vector<16xf32>,
      %get3A_589 = arith.index_cast %mul3A_539 : i32 to index
      %get3A_590 = tpu.vector_load %arg21[%get3A_589] {strides = array<i32>} : memref<128xf32, #tpu.memory_space<vmem>>, vector<16xf32>,
      %mul3A_591 = arith.constant 16 : i32
      %mul3A_592 = vector.broadcast %mul3A_591 : i32 to vector<16xi32>
      %mul3A_593 = arith.muli %add3A_541, %mul3A_592 : vector<16xi32>
      %add3A_594 = arith.constant 6 : i32
      %add3A_595 = vector.broadcast %add3A_594 : i32 to vector<16xi32>
      %add3A_596 = arith.addi %mul3A_593, %add3A_595 : vector<16xi32>
      tpu.vector_store_idx %arg25[%add3A_596], %get3A_590 : memref<2048xf32, #tpu.memory_space<vmem>>[vector<16xi32>], vector<16xf32>,
      %get3A_597 = arith.index_cast %mul3A_539 : i32 to index
      %get3A_598 = tpu.vector_load %arg22[%get3A_597] {strides = array<i32>} : memref<128xf32, #tpu.memory_space<vmem>>, vector<16xf32>,
      %mul3A_599 = arith.constant 16 : i32
      %mul3A_600 = vector.broadcast %mul3A_599 : i32 to vector<16xi32>
      %mul3A_601 = arith.muli %add3A_541, %mul3A_600 : vector<16xi32>
      %add3A_602 = arith.constant 7 : i32
      %add3A_603 = vector.broadcast %add3A_602 : i32 to vector<16xi32>
      %add3A_604 = arith.addi %mul3A_601, %add3A_603 : vector<16xi32>
      tpu.vector_store_idx %arg25[%add3A_604], %get3A_598 : memref<2048xf32, #tpu.memory_space<vmem>>[vector<16xi32>], vector<16xf32>,
      %get3A_605 = arith.index_cast %mul3A_539 : i32 to index
      %get3A_606 = tpu.vector_load %arg23[%get3A_605] {strides = array<i32>} : memref<128xf32, #tpu.memory_space<vmem>>, vector<16xf32>,
      %mul3A_607 = arith.constant 16 : i32
      %mul3A_608 = vector.broadcast %mul3A_607 : i32 to vector<16xi32>
      %mul3A_609 = arith.muli %add3A_541, %mul3A_608 : vector<16xi32>
      %add3A_610 = arith.constant 8 : i32
      %add3A_611 = vector.broadcast %add3A_610 : i32 to vector<16xi32>
      %add3A_612 = arith.addi %mul3A_609, %add3A_611 : vector<16xi32>
      tpu.vector_store_idx %arg25[%add3A_612], %get3A_606 : memref<2048xf32, #tpu.memory_space<vmem>>[vector<16xi32>], vector<16xf32>,
      %get3A_613 = arith.index_cast %mul3A_539 : i32 to index
      %get3A_614 = tpu.vector_load %arg24[%get3A_613] {strides = array<i32>} : memref<128xf32, #tpu.memory_space<vmem>>, vector<16xf32>,
      %mul3A_615 = arith.constant 16 : i32
      %mul3A_616 = vector.broadcast %mul3A_615 : i32 to vector<16xi32>
      %mul3A_617 = arith.muli %add3A_541, %mul3A_616 : vector<16xi32>
      %add3A_618 = arith.constant 9 : i32
      %add3A_619 = vector.broadcast %add3A_618 : i32 to vector<16xi32>
      %add3A_620 = arith.addi %mul3A_617, %add3A_619 : vector<16xi32>
      tpu.vector_store_idx %arg25[%add3A_620], %get3A_614 : memref<2048xf32, #tpu.memory_space<vmem>>[vector<16xi32>], vector<16xf32>,
    }
    %scan3A_398 = arith.constant 8 : i32
    %add3A_399 = arith.constant 2 : i32
    %add3A_400 = arith.addi %mul3A_2, %add3A_399 : i32
    %mul3A_401 = arith.constant 128 : i32
    %mul3A_402 = arith.muli %add3A_400, %mul3A_401 : i32
    %mul3A_403 = arith.constant 16 : i32
    %mul3A_404 = arith.muli %mul3A_402, %mul3A_403 : i32
    "tpu.region"() ({
      %run_scoped3A_537 = tpu.sem_alloc : memref<!tpu.dma_semaphore, #tpu.memory_space<semaphore_mem>>
      %dma_start3A_538 = tpu.memref_slice %arg4[%mul3A_404] : memref<262144xf32, #tpu.memory_space<hbm>> -> memref<2048xf32, #tpu.memory_space<hbm>>
      %dma_start3A_539 = tpu.memref_slice %arg4[%mul3A_404] : memref<262144xf32, #tpu.memory_space<hbm>> -> memref<2048xf32, #tpu.memory_space<hbm>>
      tpu.enqueue_dma source(%arg25 : memref<2048xf32, #tpu.memory_space<vmem>>) target(%dma_start3A_539 : memref<2048xf32, #tpu.memory_space<hbm>>) target_semaphore(%run_scoped3A_537 : memref<!tpu.dma_semaphore, #tpu.memory_space<semaphore_mem>>)
      %dma_wait3A_540 = tpu.memref_slice %arg4[%mul3A_404] : memref<262144xf32, #tpu.memory_space<hbm>> -> memref<2048xf32, #tpu.memory_space<hbm>>
      %dma_wait3A_541 = tpu.memref_slice %arg4[%mul3A_404] : memref<262144xf32, #tpu.memory_space<hbm>> -> memref<2048xf32, #tpu.memory_space<hbm>>
      tpu.wait_dma2 semaphore(%run_scoped3A_537 : memref<!tpu.dma_semaphore, #tpu.memory_space<semaphore_mem>>) src(%arg25 : memref<2048xf32, #tpu.memory_space<vmem>>) dst(%dma_wait3A_541 : memref<2048xf32, #tpu.memory_space<hbm>>)
      tpu.yield
    }) : () -> ()
    %dma_start3A_405 = arith.constant 3 : i32
    %dma_start3A_406 = arith.constant 0 : i32
    %dma_start3A_407 = tpu.memref_slice %arg5[%dma_start3A_405, %dma_start3A_406] : memref<4x128xi32, #tpu.memory_space<vmem>> -> memref<1x128xi32, #tpu.memory_space<vmem>>
    %dma_start3A_408 = tpu.memref_squeeze %dma_start3A_407 : memref<1x128xi32, #tpu.memory_space<vmem>> -> memref<128xi32, #tpu.memory_space<vmem>>
    %dma_start3A_409 = arith.constant 0 : i32
    %dma_start3A_410 = tpu.memref_slice %arg2[%dma_start3A_409] : memref<10000000xf32, #tpu.memory_space<hbm>> -> memref<10000000xf32, #tpu.memory_space<hbm>>
    tpu.enqueue_indirect_dma source(%dma_start3A_410 : memref<10000000xf32, #tpu.memory_space<hbm>>) target(%arg15 : memref<128xf32, #tpu.memory_space<vmem>>) offsets(%dma_start3A_408 : memref<128xi32, #tpu.memory_space<vmem>>) semaphore(%arg26 : memref<!tpu.dma_semaphore, #tpu.memory_space<semaphore_mem>>)
    %dma_start3A_411 = arith.constant 3 : i32
    %dma_start3A_412 = arith.constant 0 : i32
    %dma_start3A_413 = tpu.memref_slice %arg6[%dma_start3A_411, %dma_start3A_412] : memref<4x128xi32, #tpu.memory_space<vmem>> -> memref<1x128xi32, #tpu.memory_space<vmem>>
    %dma_start3A_414 = tpu.memref_squeeze %dma_start3A_413 : memref<1x128xi32, #tpu.memory_space<vmem>> -> memref<128xi32, #tpu.memory_space<vmem>>
    %dma_start3A_415 = arith.constant 0 : i32
    %dma_start3A_416 = tpu.memref_slice %arg2[%dma_start3A_415] : memref<10000000xf32, #tpu.memory_space<hbm>> -> memref<10000000xf32, #tpu.memory_space<hbm>>
    tpu.enqueue_indirect_dma source(%dma_start3A_416 : memref<10000000xf32, #tpu.memory_space<hbm>>) target(%arg16 : memref<128xf32, #tpu.memory_space<vmem>>) offsets(%dma_start3A_414 : memref<128xi32, #tpu.memory_space<vmem>>) semaphore(%arg26 : memref<!tpu.dma_semaphore, #tpu.memory_space<semaphore_mem>>)
    %dma_start3A_417 = arith.constant 3 : i32
    %dma_start3A_418 = arith.constant 0 : i32
    %dma_start3A_419 = tpu.memref_slice %arg7[%dma_start3A_417, %dma_start3A_418] : memref<4x128xi32, #tpu.memory_space<vmem>> -> memref<1x128xi32, #tpu.memory_space<vmem>>
    %dma_start3A_420 = tpu.memref_squeeze %dma_start3A_419 : memref<1x128xi32, #tpu.memory_space<vmem>> -> memref<128xi32, #tpu.memory_space<vmem>>
    %dma_start3A_421 = arith.constant 0 : i32
    %dma_start3A_422 = tpu.memref_slice %arg2[%dma_start3A_421] : memref<10000000xf32, #tpu.memory_space<hbm>> -> memref<10000000xf32, #tpu.memory_space<hbm>>
    tpu.enqueue_indirect_dma source(%dma_start3A_422 : memref<10000000xf32, #tpu.memory_space<hbm>>) target(%arg17 : memref<128xf32, #tpu.memory_space<vmem>>) offsets(%dma_start3A_420 : memref<128xi32, #tpu.memory_space<vmem>>) semaphore(%arg26 : memref<!tpu.dma_semaphore, #tpu.memory_space<semaphore_mem>>)
    %dma_start3A_423 = arith.constant 3 : i32
    %dma_start3A_424 = arith.constant 0 : i32
    %dma_start3A_425 = tpu.memref_slice %arg8[%dma_start3A_423, %dma_start3A_424] : memref<4x128xi32, #tpu.memory_space<vmem>> -> memref<1x128xi32, #tpu.memory_space<vmem>>
    %dma_start3A_426 = tpu.memref_squeeze %dma_start3A_425 : memref<1x128xi32, #tpu.memory_space<vmem>> -> memref<128xi32, #tpu.memory_space<vmem>>
    %dma_start3A_427 = arith.constant 0 : i32
    %dma_start3A_428 = tpu.memref_slice %arg2[%dma_start3A_427] : memref<10000000xf32, #tpu.memory_space<hbm>> -> memref<10000000xf32, #tpu.memory_space<hbm>>
    tpu.enqueue_indirect_dma source(%dma_start3A_428 : memref<10000000xf32, #tpu.memory_space<hbm>>) target(%arg18 : memref<128xf32, #tpu.memory_space<vmem>>) offsets(%dma_start3A_426 : memref<128xi32, #tpu.memory_space<vmem>>) semaphore(%arg26 : memref<!tpu.dma_semaphore, #tpu.memory_space<semaphore_mem>>)
    %dma_start3A_429 = arith.constant 3 : i32
    %dma_start3A_430 = arith.constant 0 : i32
    %dma_start3A_431 = tpu.memref_slice %arg9[%dma_start3A_429, %dma_start3A_430] : memref<4x128xi32, #tpu.memory_space<vmem>> -> memref<1x128xi32, #tpu.memory_space<vmem>>
    %dma_start3A_432 = tpu.memref_squeeze %dma_start3A_431 : memref<1x128xi32, #tpu.memory_space<vmem>> -> memref<128xi32, #tpu.memory_space<vmem>>
    %dma_start3A_433 = arith.constant 0 : i32
    %dma_start3A_434 = tpu.memref_slice %arg2[%dma_start3A_433] : memref<10000000xf32, #tpu.memory_space<hbm>> -> memref<10000000xf32, #tpu.memory_space<hbm>>
    tpu.enqueue_indirect_dma source(%dma_start3A_434 : memref<10000000xf32, #tpu.memory_space<hbm>>) target(%arg19 : memref<128xf32, #tpu.memory_space<vmem>>) offsets(%dma_start3A_432 : memref<128xi32, #tpu.memory_space<vmem>>) semaphore(%arg26 : memref<!tpu.dma_semaphore, #tpu.memory_space<semaphore_mem>>)
    %dma_start3A_435 = arith.constant 3 : i32
    %dma_start3A_436 = arith.constant 0 : i32
    %dma_start3A_437 = tpu.memref_slice %arg10[%dma_start3A_435, %dma_start3A_436] : memref<4x128xi32, #tpu.memory_space<vmem>> -> memref<1x128xi32, #tpu.memory_space<vmem>>
    %dma_start3A_438 = tpu.memref_squeeze %dma_start3A_437 : memref<1x128xi32, #tpu.memory_space<vmem>> -> memref<128xi32, #tpu.memory_space<vmem>>
    %dma_start3A_439 = arith.constant 0 : i32
    %dma_start3A_440 = tpu.memref_slice %arg2[%dma_start3A_439] : memref<10000000xf32, #tpu.memory_space<hbm>> -> memref<10000000xf32, #tpu.memory_space<hbm>>
    tpu.enqueue_indirect_dma source(%dma_start3A_440 : memref<10000000xf32, #tpu.memory_space<hbm>>) target(%arg20 : memref<128xf32, #tpu.memory_space<vmem>>) offsets(%dma_start3A_438 : memref<128xi32, #tpu.memory_space<vmem>>) semaphore(%arg26 : memref<!tpu.dma_semaphore, #tpu.memory_space<semaphore_mem>>)
    %dma_start3A_441 = arith.constant 3 : i32
    %dma_start3A_442 = arith.constant 0 : i32
    %dma_start3A_443 = tpu.memref_slice %arg11[%dma_start3A_441, %dma_start3A_442] : memref<4x128xi32, #tpu.memory_space<vmem>> -> memref<1x128xi32, #tpu.memory_space<vmem>>
    %dma_start3A_444 = tpu.memref_squeeze %dma_start3A_443 : memref<1x128xi32, #tpu.memory_space<vmem>> -> memref<128xi32, #tpu.memory_space<vmem>>
    %dma_start3A_445 = arith.constant 0 : i32
    %dma_start3A_446 = tpu.memref_slice %arg2[%dma_start3A_445] : memref<10000000xf32, #tpu.memory_space<hbm>> -> memref<10000000xf32, #tpu.memory_space<hbm>>
    tpu.enqueue_indirect_dma source(%dma_start3A_446 : memref<10000000xf32, #tpu.memory_space<hbm>>) target(%arg21 : memref<128xf32, #tpu.memory_space<vmem>>) offsets(%dma_start3A_444 : memref<128xi32, #tpu.memory_space<vmem>>) semaphore(%arg26 : memref<!tpu.dma_semaphore, #tpu.memory_space<semaphore_mem>>)
    %dma_start3A_447 = arith.constant 3 : i32
    %dma_start3A_448 = arith.constant 0 : i32
    %dma_start3A_449 = tpu.memref_slice %arg12[%dma_start3A_447, %dma_start3A_448] : memref<4x128xi32, #tpu.memory_space<vmem>> -> memref<1x128xi32, #tpu.memory_space<vmem>>
    %dma_start3A_450 = tpu.memref_squeeze %dma_start3A_449 : memref<1x128xi32, #tpu.memory_space<vmem>> -> memref<128xi32, #tpu.memory_space<vmem>>
    %dma_start3A_451 = arith.constant 0 : i32
    %dma_start3A_452 = tpu.memref_slice %arg2[%dma_start3A_451] : memref<10000000xf32, #tpu.memory_space<hbm>> -> memref<10000000xf32, #tpu.memory_space<hbm>>
    tpu.enqueue_indirect_dma source(%dma_start3A_452 : memref<10000000xf32, #tpu.memory_space<hbm>>) target(%arg22 : memref<128xf32, #tpu.memory_space<vmem>>) offsets(%dma_start3A_450 : memref<128xi32, #tpu.memory_space<vmem>>) semaphore(%arg26 : memref<!tpu.dma_semaphore, #tpu.memory_space<semaphore_mem>>)
    %dma_start3A_453 = arith.constant 3 : i32
    %dma_start3A_454 = arith.constant 0 : i32
    %dma_start3A_455 = tpu.memref_slice %arg13[%dma_start3A_453, %dma_start3A_454] : memref<4x128xi32, #tpu.memory_space<vmem>> -> memref<1x128xi32, #tpu.memory_space<vmem>>
    %dma_start3A_456 = tpu.memref_squeeze %dma_start3A_455 : memref<1x128xi32, #tpu.memory_space<vmem>> -> memref<128xi32, #tpu.memory_space<vmem>>
    %dma_start3A_457 = arith.constant 0 : i32
    %dma_start3A_458 = tpu.memref_slice %arg2[%dma_start3A_457] : memref<10000000xf32, #tpu.memory_space<hbm>> -> memref<10000000xf32, #tpu.memory_space<hbm>>
    tpu.enqueue_indirect_dma source(%dma_start3A_458 : memref<10000000xf32, #tpu.memory_space<hbm>>) target(%arg23 : memref<128xf32, #tpu.memory_space<vmem>>) offsets(%dma_start3A_456 : memref<128xi32, #tpu.memory_space<vmem>>) semaphore(%arg26 : memref<!tpu.dma_semaphore, #tpu.memory_space<semaphore_mem>>)
    %dma_start3A_459 = arith.constant 3 : i32
    %dma_start3A_460 = arith.constant 0 : i32
    %dma_start3A_461 = tpu.memref_slice %arg14[%dma_start3A_459, %dma_start3A_460] : memref<4x128xi32, #tpu.memory_space<vmem>> -> memref<1x128xi32, #tpu.memory_space<vmem>>
    %dma_start3A_462 = tpu.memref_squeeze %dma_start3A_461 : memref<1x128xi32, #tpu.memory_space<vmem>> -> memref<128xi32, #tpu.memory_space<vmem>>
    %dma_start3A_463 = arith.constant 0 : i32
    %dma_start3A_464 = tpu.memref_slice %arg2[%dma_start3A_463] : memref<10000000xf32, #tpu.memory_space<hbm>> -> memref<10000000xf32, #tpu.memory_space<hbm>>
    tpu.enqueue_indirect_dma source(%dma_start3A_464 : memref<10000000xf32, #tpu.memory_space<hbm>>) target(%arg24 : memref<128xf32, #tpu.memory_space<vmem>>) offsets(%dma_start3A_462 : memref<128xi32, #tpu.memory_space<vmem>>) semaphore(%arg26 : memref<!tpu.dma_semaphore, #tpu.memory_space<semaphore_mem>>)
    %dma_wait3A_465 = arith.constant 3 : i32
    %dma_wait3A_466 = arith.constant 0 : i32
    %dma_wait3A_467 = tpu.memref_slice %arg5[%dma_wait3A_465, %dma_wait3A_466] : memref<4x128xi32, #tpu.memory_space<vmem>> -> memref<1x128xi32, #tpu.memory_space<vmem>>
    %dma_wait3A_468 = tpu.memref_squeeze %dma_wait3A_467 : memref<1x128xi32, #tpu.memory_space<vmem>> -> memref<128xi32, #tpu.memory_space<vmem>>
    %dma_wait3A_469 = arith.constant 0 : i32
    %dma_wait3A_470 = tpu.memref_slice %arg2[%dma_wait3A_469] : memref<10000000xf32, #tpu.memory_space<hbm>> -> memref<10000000xf32, #tpu.memory_space<hbm>>
    tpu.wait_indirect_dma semaphore(%arg26 : memref<!tpu.dma_semaphore, #tpu.memory_space<semaphore_mem>>) src(%dma_wait3A_470 : memref<10000000xf32, #tpu.memory_space<hbm>>) dst(%arg15 : memref<128xf32, #tpu.memory_space<vmem>>)
    %dma_wait3A_471 = arith.constant 3 : i32
    %dma_wait3A_472 = arith.constant 0 : i32
    %dma_wait3A_473 = tpu.memref_slice %arg6[%dma_wait3A_471, %dma_wait3A_472] : memref<4x128xi32, #tpu.memory_space<vmem>> -> memref<1x128xi32, #tpu.memory_space<vmem>>
    %dma_wait3A_474 = tpu.memref_squeeze %dma_wait3A_473 : memref<1x128xi32, #tpu.memory_space<vmem>> -> memref<128xi32, #tpu.memory_space<vmem>>
    %dma_wait3A_475 = arith.constant 0 : i32
    %dma_wait3A_476 = tpu.memref_slice %arg2[%dma_wait3A_475] : memref<10000000xf32, #tpu.memory_space<hbm>> -> memref<10000000xf32, #tpu.memory_space<hbm>>
    tpu.wait_indirect_dma semaphore(%arg26 : memref<!tpu.dma_semaphore, #tpu.memory_space<semaphore_mem>>) src(%dma_wait3A_476 : memref<10000000xf32, #tpu.memory_space<hbm>>) dst(%arg16 : memref<128xf32, #tpu.memory_space<vmem>>)
    %dma_wait3A_477 = arith.constant 3 : i32
    %dma_wait3A_478 = arith.constant 0 : i32
    %dma_wait3A_479 = tpu.memref_slice %arg7[%dma_wait3A_477, %dma_wait3A_478] : memref<4x128xi32, #tpu.memory_space<vmem>> -> memref<1x128xi32, #tpu.memory_space<vmem>>
    %dma_wait3A_480 = tpu.memref_squeeze %dma_wait3A_479 : memref<1x128xi32, #tpu.memory_space<vmem>> -> memref<128xi32, #tpu.memory_space<vmem>>
    %dma_wait3A_481 = arith.constant 0 : i32
    %dma_wait3A_482 = tpu.memref_slice %arg2[%dma_wait3A_481] : memref<10000000xf32, #tpu.memory_space<hbm>> -> memref<10000000xf32, #tpu.memory_space<hbm>>
    tpu.wait_indirect_dma semaphore(%arg26 : memref<!tpu.dma_semaphore, #tpu.memory_space<semaphore_mem>>) src(%dma_wait3A_482 : memref<10000000xf32, #tpu.memory_space<hbm>>) dst(%arg17 : memref<128xf32, #tpu.memory_space<vmem>>)
    %dma_wait3A_483 = arith.constant 3 : i32
    %dma_wait3A_484 = arith.constant 0 : i32
    %dma_wait3A_485 = tpu.memref_slice %arg8[%dma_wait3A_483, %dma_wait3A_484] : memref<4x128xi32, #tpu.memory_space<vmem>> -> memref<1x128xi32, #tpu.memory_space<vmem>>
    %dma_wait3A_486 = tpu.memref_squeeze %dma_wait3A_485 : memref<1x128xi32, #tpu.memory_space<vmem>> -> memref<128xi32, #tpu.memory_space<vmem>>
    %dma_wait3A_487 = arith.constant 0 : i32
    %dma_wait3A_488 = tpu.memref_slice %arg2[%dma_wait3A_487] : memref<10000000xf32, #tpu.memory_space<hbm>> -> memref<10000000xf32, #tpu.memory_space<hbm>>
    tpu.wait_indirect_dma semaphore(%arg26 : memref<!tpu.dma_semaphore, #tpu.memory_space<semaphore_mem>>) src(%dma_wait3A_488 : memref<10000000xf32, #tpu.memory_space<hbm>>) dst(%arg18 : memref<128xf32, #tpu.memory_space<vmem>>)
    %dma_wait3A_489 = arith.constant 3 : i32
    %dma_wait3A_490 = arith.constant 0 : i32
    %dma_wait3A_491 = tpu.memref_slice %arg9[%dma_wait3A_489, %dma_wait3A_490] : memref<4x128xi32, #tpu.memory_space<vmem>> -> memref<1x128xi32, #tpu.memory_space<vmem>>
    %dma_wait3A_492 = tpu.memref_squeeze %dma_wait3A_491 : memref<1x128xi32, #tpu.memory_space<vmem>> -> memref<128xi32, #tpu.memory_space<vmem>>
    %dma_wait3A_493 = arith.constant 0 : i32
    %dma_wait3A_494 = tpu.memref_slice %arg2[%dma_wait3A_493] : memref<10000000xf32, #tpu.memory_space<hbm>> -> memref<10000000xf32, #tpu.memory_space<hbm>>
    tpu.wait_indirect_dma semaphore(%arg26 : memref<!tpu.dma_semaphore, #tpu.memory_space<semaphore_mem>>) src(%dma_wait3A_494 : memref<10000000xf32, #tpu.memory_space<hbm>>) dst(%arg19 : memref<128xf32, #tpu.memory_space<vmem>>)
    %dma_wait3A_495 = arith.constant 3 : i32
    %dma_wait3A_496 = arith.constant 0 : i32
    %dma_wait3A_497 = tpu.memref_slice %arg10[%dma_wait3A_495, %dma_wait3A_496] : memref<4x128xi32, #tpu.memory_space<vmem>> -> memref<1x128xi32, #tpu.memory_space<vmem>>
    %dma_wait3A_498 = tpu.memref_squeeze %dma_wait3A_497 : memref<1x128xi32, #tpu.memory_space<vmem>> -> memref<128xi32, #tpu.memory_space<vmem>>
    %dma_wait3A_499 = arith.constant 0 : i32
    %dma_wait3A_500 = tpu.memref_slice %arg2[%dma_wait3A_499] : memref<10000000xf32, #tpu.memory_space<hbm>> -> memref<10000000xf32, #tpu.memory_space<hbm>>
    tpu.wait_indirect_dma semaphore(%arg26 : memref<!tpu.dma_semaphore, #tpu.memory_space<semaphore_mem>>) src(%dma_wait3A_500 : memref<10000000xf32, #tpu.memory_space<hbm>>) dst(%arg20 : memref<128xf32, #tpu.memory_space<vmem>>)
    %dma_wait3A_501 = arith.constant 3 : i32
    %dma_wait3A_502 = arith.constant 0 : i32
    %dma_wait3A_503 = tpu.memref_slice %arg11[%dma_wait3A_501, %dma_wait3A_502] : memref<4x128xi32, #tpu.memory_space<vmem>> -> memref<1x128xi32, #tpu.memory_space<vmem>>
    %dma_wait3A_504 = tpu.memref_squeeze %dma_wait3A_503 : memref<1x128xi32, #tpu.memory_space<vmem>> -> memref<128xi32, #tpu.memory_space<vmem>>
    %dma_wait3A_505 = arith.constant 0 : i32
    %dma_wait3A_506 = tpu.memref_slice %arg2[%dma_wait3A_505] : memref<10000000xf32, #tpu.memory_space<hbm>> -> memref<10000000xf32, #tpu.memory_space<hbm>>
    tpu.wait_indirect_dma semaphore(%arg26 : memref<!tpu.dma_semaphore, #tpu.memory_space<semaphore_mem>>) src(%dma_wait3A_506 : memref<10000000xf32, #tpu.memory_space<hbm>>) dst(%arg21 : memref<128xf32, #tpu.memory_space<vmem>>)
    %dma_wait3A_507 = arith.constant 3 : i32
    %dma_wait3A_508 = arith.constant 0 : i32
    %dma_wait3A_509 = tpu.memref_slice %arg12[%dma_wait3A_507, %dma_wait3A_508] : memref<4x128xi32, #tpu.memory_space<vmem>> -> memref<1x128xi32, #tpu.memory_space<vmem>>
    %dma_wait3A_510 = tpu.memref_squeeze %dma_wait3A_509 : memref<1x128xi32, #tpu.memory_space<vmem>> -> memref<128xi32, #tpu.memory_space<vmem>>
    %dma_wait3A_511 = arith.constant 0 : i32
    %dma_wait3A_512 = tpu.memref_slice %arg2[%dma_wait3A_511] : memref<10000000xf32, #tpu.memory_space<hbm>> -> memref<10000000xf32, #tpu.memory_space<hbm>>
    tpu.wait_indirect_dma semaphore(%arg26 : memref<!tpu.dma_semaphore, #tpu.memory_space<semaphore_mem>>) src(%dma_wait3A_512 : memref<10000000xf32, #tpu.memory_space<hbm>>) dst(%arg22 : memref<128xf32, #tpu.memory_space<vmem>>)
    %dma_wait3A_513 = arith.constant 3 : i32
    %dma_wait3A_514 = arith.constant 0 : i32
    %dma_wait3A_515 = tpu.memref_slice %arg13[%dma_wait3A_513, %dma_wait3A_514] : memref<4x128xi32, #tpu.memory_space<vmem>> -> memref<1x128xi32, #tpu.memory_space<vmem>>
    %dma_wait3A_516 = tpu.memref_squeeze %dma_wait3A_515 : memref<1x128xi32, #tpu.memory_space<vmem>> -> memref<128xi32, #tpu.memory_space<vmem>>
    %dma_wait3A_517 = arith.constant 0 : i32
    %dma_wait3A_518 = tpu.memref_slice %arg2[%dma_wait3A_517] : memref<10000000xf32, #tpu.memory_space<hbm>> -> memref<10000000xf32, #tpu.memory_space<hbm>>
    tpu.wait_indirect_dma semaphore(%arg26 : memref<!tpu.dma_semaphore, #tpu.memory_space<semaphore_mem>>) src(%dma_wait3A_518 : memref<10000000xf32, #tpu.memory_space<hbm>>) dst(%arg23 : memref<128xf32, #tpu.memory_space<vmem>>)
    %dma_wait3A_519 = arith.constant 3 : i32
    %dma_wait3A_520 = arith.constant 0 : i32
    %dma_wait3A_521 = tpu.memref_slice %arg14[%dma_wait3A_519, %dma_wait3A_520] : memref<4x128xi32, #tpu.memory_space<vmem>> -> memref<1x128xi32, #tpu.memory_space<vmem>>
    %dma_wait3A_522 = tpu.memref_squeeze %dma_wait3A_521 : memref<1x128xi32, #tpu.memory_space<vmem>> -> memref<128xi32, #tpu.memory_space<vmem>>
    %dma_wait3A_523 = arith.constant 0 : i32
    %dma_wait3A_524 = tpu.memref_slice %arg2[%dma_wait3A_523] : memref<10000000xf32, #tpu.memory_space<hbm>> -> memref<10000000xf32, #tpu.memory_space<hbm>>
    tpu.wait_indirect_dma semaphore(%arg26 : memref<!tpu.dma_semaphore, #tpu.memory_space<semaphore_mem>>) src(%dma_wait3A_524 : memref<10000000xf32, #tpu.memory_space<hbm>>) dst(%arg24 : memref<128xf32, #tpu.memory_space<vmem>>)
    %scan3A_525 = arith.constant 0 : i32
    %scan3A_526 = arith.constant 0 : i32
    %scan3A_527 = arith.constant 8 : i32
    %scan3A_528 = arith.addi %scan3A_526, %scan3A_527 : i32
    %scan3A_529 = arith.constant 1 : i32
    scf.for %scan3A_537 = %scan3A_526 to %scan3A_528 step %scan3A_529  : i32 {
      %mul3A_538 = arith.constant 16 : i32
      %mul3A_539 = arith.muli %scan3A_537, %mul3A_538 : i32
      %add3A_540 = vector.broadcast %mul3A_539 : i32 to vector<16xi32>
      %add3A_541 = arith.addi %add3A_540, %iota3A : vector<16xi32>
      %get3A = arith.index_cast %mul3A_539 : i32 to index
      %get3A_542 = tpu.vector_load %arg15[%get3A] {strides = array<i32>} : memref<128xf32, #tpu.memory_space<vmem>>, vector<16xf32>,
      %mul3A_543 = arith.constant 16 : i32
      %mul3A_544 = vector.broadcast %mul3A_543 : i32 to vector<16xi32>
      %mul3A_545 = arith.muli %add3A_541, %mul3A_544 : vector<16xi32>
      %add3A_546 = arith.constant 0 : i32
      %add3A_547 = vector.broadcast %add3A_546 : i32 to vector<16xi32>
      %add3A_548 = arith.addi %mul3A_545, %add3A_547 : vector<16xi32>
      tpu.vector_store_idx %arg25[%add3A_548], %get3A_542 : memref<2048xf32, #tpu.memory_space<vmem>>[vector<16xi32>], vector<16xf32>,
      %get3A_549 = arith.index_cast %mul3A_539 : i32 to index
      %get3A_550 = tpu.vector_load %arg16[%get3A_549] {strides = array<i32>} : memref<128xf32, #tpu.memory_space<vmem>>, vector<16xf32>,
      %mul3A_551 = arith.constant 16 : i32
      %mul3A_552 = vector.broadcast %mul3A_551 : i32 to vector<16xi32>
      %mul3A_553 = arith.muli %add3A_541, %mul3A_552 : vector<16xi32>
      %add3A_554 = arith.constant 1 : i32
      %add3A_555 = vector.broadcast %add3A_554 : i32 to vector<16xi32>
      %add3A_556 = arith.addi %mul3A_553, %add3A_555 : vector<16xi32>
      tpu.vector_store_idx %arg25[%add3A_556], %get3A_550 : memref<2048xf32, #tpu.memory_space<vmem>>[vector<16xi32>], vector<16xf32>,
      %get3A_557 = arith.index_cast %mul3A_539 : i32 to index
      %get3A_558 = tpu.vector_load %arg17[%get3A_557] {strides = array<i32>} : memref<128xf32, #tpu.memory_space<vmem>>, vector<16xf32>,
      %mul3A_559 = arith.constant 16 : i32
      %mul3A_560 = vector.broadcast %mul3A_559 : i32 to vector<16xi32>
      %mul3A_561 = arith.muli %add3A_541, %mul3A_560 : vector<16xi32>
      %add3A_562 = arith.constant 2 : i32
      %add3A_563 = vector.broadcast %add3A_562 : i32 to vector<16xi32>
      %add3A_564 = arith.addi %mul3A_561, %add3A_563 : vector<16xi32>
      tpu.vector_store_idx %arg25[%add3A_564], %get3A_558 : memref<2048xf32, #tpu.memory_space<vmem>>[vector<16xi32>], vector<16xf32>,
      %get3A_565 = arith.index_cast %mul3A_539 : i32 to index
      %get3A_566 = tpu.vector_load %arg18[%get3A_565] {strides = array<i32>} : memref<128xf32, #tpu.memory_space<vmem>>, vector<16xf32>,
      %mul3A_567 = arith.constant 16 : i32
      %mul3A_568 = vector.broadcast %mul3A_567 : i32 to vector<16xi32>
      %mul3A_569 = arith.muli %add3A_541, %mul3A_568 : vector<16xi32>
      %add3A_570 = arith.constant 3 : i32
      %add3A_571 = vector.broadcast %add3A_570 : i32 to vector<16xi32>
      %add3A_572 = arith.addi %mul3A_569, %add3A_571 : vector<16xi32>
      tpu.vector_store_idx %arg25[%add3A_572], %get3A_566 : memref<2048xf32, #tpu.memory_space<vmem>>[vector<16xi32>], vector<16xf32>,
      %get3A_573 = arith.index_cast %mul3A_539 : i32 to index
      %get3A_574 = tpu.vector_load %arg19[%get3A_573] {strides = array<i32>} : memref<128xf32, #tpu.memory_space<vmem>>, vector<16xf32>,
      %mul3A_575 = arith.constant 16 : i32
      %mul3A_576 = vector.broadcast %mul3A_575 : i32 to vector<16xi32>
      %mul3A_577 = arith.muli %add3A_541, %mul3A_576 : vector<16xi32>
      %add3A_578 = arith.constant 4 : i32
      %add3A_579 = vector.broadcast %add3A_578 : i32 to vector<16xi32>
      %add3A_580 = arith.addi %mul3A_577, %add3A_579 : vector<16xi32>
      tpu.vector_store_idx %arg25[%add3A_580], %get3A_574 : memref<2048xf32, #tpu.memory_space<vmem>>[vector<16xi32>], vector<16xf32>,
      %get3A_581 = arith.index_cast %mul3A_539 : i32 to index
      %get3A_582 = tpu.vector_load %arg20[%get3A_581] {strides = array<i32>} : memref<128xf32, #tpu.memory_space<vmem>>, vector<16xf32>,
      %mul3A_583 = arith.constant 16 : i32
      %mul3A_584 = vector.broadcast %mul3A_583 : i32 to vector<16xi32>
      %mul3A_585 = arith.muli %add3A_541, %mul3A_584 : vector<16xi32>
      %add3A_586 = arith.constant 5 : i32
      %add3A_587 = vector.broadcast %add3A_586 : i32 to vector<16xi32>
      %add3A_588 = arith.addi %mul3A_585, %add3A_587 : vector<16xi32>
      tpu.vector_store_idx %arg25[%add3A_588], %get3A_582 : memref<2048xf32, #tpu.memory_space<vmem>>[vector<16xi32>], vector<16xf32>,
      %get3A_589 = arith.index_cast %mul3A_539 : i32 to index
      %get3A_590 = tpu.vector_load %arg21[%get3A_589] {strides = array<i32>} : memref<128xf32, #tpu.memory_space<vmem>>, vector<16xf32>,
      %mul3A_591 = arith.constant 16 : i32
      %mul3A_592 = vector.broadcast %mul3A_591 : i32 to vector<16xi32>
      %mul3A_593 = arith.muli %add3A_541, %mul3A_592 : vector<16xi32>
      %add3A_594 = arith.constant 6 : i32
      %add3A_595 = vector.broadcast %add3A_594 : i32 to vector<16xi32>
      %add3A_596 = arith.addi %mul3A_593, %add3A_595 : vector<16xi32>
      tpu.vector_store_idx %arg25[%add3A_596], %get3A_590 : memref<2048xf32, #tpu.memory_space<vmem>>[vector<16xi32>], vector<16xf32>,
      %get3A_597 = arith.index_cast %mul3A_539 : i32 to index
      %get3A_598 = tpu.vector_load %arg22[%get3A_597] {strides = array<i32>} : memref<128xf32, #tpu.memory_space<vmem>>, vector<16xf32>,
      %mul3A_599 = arith.constant 16 : i32
      %mul3A_600 = vector.broadcast %mul3A_599 : i32 to vector<16xi32>
      %mul3A_601 = arith.muli %add3A_541, %mul3A_600 : vector<16xi32>
      %add3A_602 = arith.constant 7 : i32
      %add3A_603 = vector.broadcast %add3A_602 : i32 to vector<16xi32>
      %add3A_604 = arith.addi %mul3A_601, %add3A_603 : vector<16xi32>
      tpu.vector_store_idx %arg25[%add3A_604], %get3A_598 : memref<2048xf32, #tpu.memory_space<vmem>>[vector<16xi32>], vector<16xf32>,
      %get3A_605 = arith.index_cast %mul3A_539 : i32 to index
      %get3A_606 = tpu.vector_load %arg23[%get3A_605] {strides = array<i32>} : memref<128xf32, #tpu.memory_space<vmem>>, vector<16xf32>,
      %mul3A_607 = arith.constant 16 : i32
      %mul3A_608 = vector.broadcast %mul3A_607 : i32 to vector<16xi32>
      %mul3A_609 = arith.muli %add3A_541, %mul3A_608 : vector<16xi32>
      %add3A_610 = arith.constant 8 : i32
      %add3A_611 = vector.broadcast %add3A_610 : i32 to vector<16xi32>
      %add3A_612 = arith.addi %mul3A_609, %add3A_611 : vector<16xi32>
      tpu.vector_store_idx %arg25[%add3A_612], %get3A_606 : memref<2048xf32, #tpu.memory_space<vmem>>[vector<16xi32>], vector<16xf32>,
      %get3A_613 = arith.index_cast %mul3A_539 : i32 to index
      %get3A_614 = tpu.vector_load %arg24[%get3A_613] {strides = array<i32>} : memref<128xf32, #tpu.memory_space<vmem>>, vector<16xf32>,
      %mul3A_615 = arith.constant 16 : i32
      %mul3A_616 = vector.broadcast %mul3A_615 : i32 to vector<16xi32>
      %mul3A_617 = arith.muli %add3A_541, %mul3A_616 : vector<16xi32>
      %add3A_618 = arith.constant 9 : i32
      %add3A_619 = vector.broadcast %add3A_618 : i32 to vector<16xi32>
      %add3A_620 = arith.addi %mul3A_617, %add3A_619 : vector<16xi32>
      tpu.vector_store_idx %arg25[%add3A_620], %get3A_614 : memref<2048xf32, #tpu.memory_space<vmem>>[vector<16xi32>], vector<16xf32>,
    }
    %scan3A_530 = arith.constant 8 : i32
    %add3A_531 = arith.constant 3 : i32
    %add3A_532 = arith.addi %mul3A_2, %add3A_531 : i32
    %mul3A_533 = arith.constant 128 : i32
    %mul3A_534 = arith.muli %add3A_532, %mul3A_533 : i32
    %mul3A_535 = arith.constant 16 : i32
    %mul3A_536 = arith.muli %mul3A_534, %mul3A_535 : i32
    "tpu.region"() ({
      %run_scoped3A_537 = tpu.sem_alloc : memref<!tpu.dma_semaphore, #tpu.memory_space<semaphore_mem>>
      %dma_start3A_538 = tpu.memref_slice %arg4[%mul3A_536] : memref<262144xf32, #tpu.memory_space<hbm>> -> memref<2048xf32, #tpu.memory_space<hbm>>
      %dma_start3A_539 = tpu.memref_slice %arg4[%mul3A_536] : memref<262144xf32, #tpu.memory_space<hbm>> -> memref<2048xf32, #tpu.memory_space<hbm>>
      tpu.enqueue_dma source(%arg25 : memref<2048xf32, #tpu.memory_space<vmem>>) target(%dma_start3A_539 : memref<2048xf32, #tpu.memory_space<hbm>>) target_semaphore(%run_scoped3A_537 : memref<!tpu.dma_semaphore, #tpu.memory_space<semaphore_mem>>)
      %dma_wait3A_540 = tpu.memref_slice %arg4[%mul3A_536] : memref<262144xf32, #tpu.memory_space<hbm>> -> memref<2048xf32, #tpu.memory_space<hbm>>
      %dma_wait3A_541 = tpu.memref_slice %arg4[%mul3A_536] : memref<262144xf32, #tpu.memory_space<hbm>> -> memref<2048xf32, #tpu.memory_space<hbm>>
      tpu.wait_dma2 semaphore(%run_scoped3A_537 : memref<!tpu.dma_semaphore, #tpu.memory_space<semaphore_mem>>) src(%arg25 : memref<2048xf32, #tpu.memory_space<vmem>>) dst(%dma_wait3A_541 : memref<2048xf32, #tpu.memory_space<hbm>>)
      tpu.yield
    }) : () -> ()
    return
  }
}

</mosaic_0001>

<sc_bundles>
// kernel: kernel.3.cloned.1.call-start
scs
__scs_entry_jumppad:
0x0: {  	(pc) =	sbr.rel $0x88, $3  }
0x1: {  	(tag) =	ssettag $0x0;
	lr =	simm.s32 $0x1  }
0x2: {  	[smem:$0x3F9F] =	sst lr;
	_ =	strace $0xD0000000  }
0x3: {  	_ = 	snop  }
0x4: {  	_ = 	snop  }
0x5: {  	_ = 	snop  }
0x6: {  	_ = 	snop  }
0x7: {  	_ = 	snop  }
__scs_overlays_trampoline_lowered:
0x8: {  	[smem:$0x3FAE] =	sst s0  }
0x9: {  	[smem:$0x3FAF] =	sst s1  }
0xa: {  	[smem:$0x3FB0] =	sst s2  }
0xb: {  	[smem:$0x3FB1] =	sst s3  }
0xc: {  	[smem:$0x3FB2] =	sst s4  }
0xd: {  	[smem:$0x3FB3] =	sst s5  }
0xe: {  	[smem:$0x3FB4] =	sst s6  }
0xf: {  	[smem:$0x3FB5] =	sst s7  }
0x10: {  	[smem:$0x3FB6] =	sst s8  }
0x11: {  	[smem:$0x3FB7] =	sst s9;
	s0 =	simm.s32 @!p0 $0x0  }
0x12: {  	s1 =	sld [smem:$0x3F9D];
	s0 =	simm.s32 @p0 $0x1  }
0x13: {  	[smem:$0x3FB8] =	sst s0;
	s0 =	simm.s32 @!p1 $0x0  }
0x14: {  	s2 =	sld [smem:$0x3F9C];
	s0 =	simm.s32 @p1 $0x1  }
0x15: {  	[smem:$0x3FB9] =	sst s0;
	s0 =	simm.s32 @!p2 $0x0  }
0x16: {  	s3 =	sld [smem:$0x3FDB];
	s0 =	simm.s32 @p2 $0x1  }
0x17: {  	s4 =	simm.s32 $0x1BF5;
	[smem:$0x3FBB] =	sst s0  }
0x18: {  	s0 =	sld [smem:$0x3F9E];
	_ =	swait.ge [sflag:s4], $0x0  }
0x19: {  	s7 =	sld [smem:$0x3F9F]  }
0x1a: {  	s8 =	sadd.s32 $0xFFFFE003, lr  }
0x1b: {  	s9 =	sadd.s32 $0xFFFFFEF7, lr;
	s5 =	simm.s32 $0xFFFFFFFF;
	p2 =	slt.u32 s8, $0xFFFFF086  }
0x1c: {  	p1 =	slt.u32 s9, $0xF7A;
	s5 =	simm.s32 @!p2 $0x0  }
0x1d: {  	s5 =	simm.s32 @p1 $0x1;
	p0 =	seq.s32 s7, s2  }
0x1e: {  	s7 =	smul.u32 @!p0 $0xF7A, s2;
	p2 =	seq.s32 @!p0 s5, $0x0  }
0x1f: {  	s9 =	smul.u32 $0xF7A, s1;
	s8 =	simm.s32 @!p0 $0x1BF5;
	p2 =	por !p2, p0  }
0x20: {  	[sflag:s8] =	ssyncset.s32 @!p0 $0xFFFFF086;
	s6 =	sadd.s32 @!p0 s3, s7;
	s7 =	simm.s32 @!p0 $0x108  }
0x21: {  	s3 =	sadd.s32 s3, s9;
	s6 =	sadd.s32 @!p0 $0x88, s6;
	s7 =	simm.s32 @p2 $0x1082  }
0x22: {  	[simem:s7], [sflag:s8] =	dma.local @!p0 [hbm:s6], $0xF7A  }
0x23: {  	s9 =	sor.u32 $0xD0000000, s2;
	s6 =	simm.s32 $0x108;
	_ =	swait.ge @!p0 [sflag:s8], $0x0  }
0x24: {  	s3 =	sadd.s32 $0x88, s3;
	s6 =	simm.s32 @!p1 $0x1082;
	[sflag:s4] =	ssyncset.s32 $0xFFFFF086  }
0x25: {  	[simem:s6], [sflag:s4] =	dma.local [hbm:s3], $0xF7A  }
0x26: {  	[smem:$0x3F9F] =	sst s1;
	(tag) =	ssettag s2;
	_ =	strace s9  }
0x27: {  	s1 =	sld [smem:$0x3FAF]  }
0x28: {  	s2 =	sld [smem:$0x3FB0]  }
0x29: {  	s4 =	sld [smem:$0x3FB2]  }
0x2a: {  	p0 =	seq.s32 s5, $0x0;
	s5 =	sld [smem:$0x3FB3]  }
0x2b: {  	s6 =	sld [smem:$0x3FB4]  }
0x2c: {  	s7 =	sld [smem:$0x3FB5]  }
0x2d: {  	s3 =	simm.s32 $0x108;
	s8 =	sld [smem:$0x3FB6]  }
0x2e: {  	s3 =	simm.s32 @!p0 $0x1082;
	s9 =	sld [smem:$0x3FB7]  }
0x2f: {  	lr =	sadd.s32 s0, s3;
	s0 =	sld [smem:$0x3FAE]  }
0x30: {  	s3 =	sld [smem:$0x3FB1]  }
0x31: {  	[smem:$0x3FBA] =	sst s10  }
0x32: {  	s10 =	sld [smem:$0x3FB8];
	_ =	sdelay $0x3  }
0x33: {  	p0 =	seq.s32 s10, $0x1;
	s10 =	sld [smem:$0x3FBA];
	_ =	sdelay $0x3  }
0x34: {  	[smem:$0x3FBA] =	sst s10  }
0x35: {  	s10 =	sld [smem:$0x3FB9];
	_ =	sdelay $0x3  }
0x36: {  	p1 =	seq.s32 s10, $0x1;
	s10 =	sld [smem:$0x3FBA];
	_ =	sdelay $0x3  }
0x37: {  	[smem:$0x3FBA] =	sst s10  }
0x38: {  	s10 =	sld [smem:$0x3FBB]  }
0x39: {  	_ = 	snop;
	(pc) =	sbr.ind lr, $3  }
0x3a: {  	_ = 	snop  }
0x3b: {  	_ = 	snop  }
0x3c: {  	p2 =	seq.s32 s10, $0x1;
	s10 =	sld [smem:$0x3FBA]  }
0x3d: {  	_ =	shalt  }
0x3e: {  	_ =	shalt  }
0x3f: {  	_ =	shalt  }
0x40: {  	_ =	shalt  }
0x41: {  	_ =	shalt  }
0x42: {  	_ =	shalt  }
0x43: {  	_ =	shalt  }
0x44: {  	_ =	shalt  }
0x45: {  	_ =	shalt  }
0x46: {  	_ =	shalt  }
0x47: {  	_ =	shalt  }
0x48: {  	_ =	shalt  }
0x49: {  	_ =	shalt  }
0x4a: {  	_ =	shalt  }
0x4b: {  	_ =	shalt  }
0x4c: {  	_ =	shalt  }
0x4d: {  	_ =	shalt  }
0x4e: {  	_ =	shalt  }
0x4f: {  	_ =	shalt  }
0x50: {  	_ =	shalt  }
0x51: {  	_ =	shalt  }
0x52: {  	_ =	shalt  }
0x53: {  	_ =	shalt  }
0x54: {  	_ =	shalt  }
0x55: {  	_ =	shalt  }
0x56: {  	_ =	shalt  }
0x57: {  	_ =	shalt  }
0x58: {  	_ =	shalt  }
0x59: {  	_ =	shalt  }
0x5a: {  	_ =	shalt  }
0x5b: {  	_ =	shalt  }
0x5c: {  	_ =	shalt  }
0x5d: {  	_ =	shalt  }
0x5e: {  	_ =	shalt  }
0x5f: {  	_ =	shalt  }
0x60: {  	_ =	shalt  }
0x61: {  	_ =	shalt  }
0x62: {  	_ =	shalt  }
0x63: {  	_ =	shalt  }
0x64: {  	_ =	shalt  }
0x65: {  	_ =	shalt  }
0x66: {  	_ =	shalt  }
0x67: {  	_ =	shalt  }
0x68: {  	_ =	shalt  }
0x69: {  	_ =	shalt  }
0x6a: {  	_ =	shalt  }
0x6b: {  	_ =	shalt  }
0x6c: {  	_ =	shalt  }
0x6d: {  	_ =	shalt  }
0x6e: {  	_ =	shalt  }
0x6f: {  	_ =	shalt  }
0x70: {  	_ =	shalt  }
0x71: {  	_ =	shalt  }
0x72: {  	_ =	shalt  }
0x73: {  	_ =	shalt  }
0x74: {  	_ =	shalt  }
0x75: {  	_ =	shalt  }
0x76: {  	_ =	shalt  }
0x77: {  	_ =	shalt  }
0x78: {  	_ =	shalt  }
0x79: {  	_ =	shalt  }
0x7a: {  	_ =	shalt  }
0x7b: {  	_ =	shalt  }
0x7c: {  	_ =	shalt  }
0x7d: {  	_ =	shalt  }
0x7e: {  	_ =	shalt  }
0x7f: {  	_ =	shalt  }
0x80: {  	_ =	shalt  }
0x81: {  	_ =	shalt  }
0x82: {  	_ =	shalt  }
0x83: {  	_ =	shalt  }
0x84: {  	_ =	shalt  }
0x85: {  	_ =	shalt  }
0x86: {  	_ =	shalt  }
0x87: {  	_ =	shalt  }
.Lfunc_end0:
.L_simem_size_0:
called_computation_lowered:
.L_overlay_start_0:
0x88: {  	s2 =	sld [smem:$0x3FD9]  }
0x89: {  	s3 =	sld [smem:$0x3FFE];
	_ =	sdelay $0x1  }
0x8a: {  	s1 =	srdreg.scid  }
0x8b: {  	s0 =	sand.u32 $0x1, s1  }
0x8c: {  	s17 =	sshll.u32 s0, $0xA;
	s2 =	sadd.s32 s3, s2  }
0x8d: {  	s2 =	sadd.s32 s2, s17  }
0x8e: {  	[smem:$0x3FC6] =	sst s2  }
0x8f: {  	_ = 	snop  }
0x90: {  	s2 =	sld [smem:$0x3FD0];
	(tm) =	ssettm $0x1  }
0x91: {  	s18 =	sld [smem:$0x3FFB];
	_ =	sdelay $0x3  }
0x92: {  	_ =	strace s18  }
0x93: {  	s3 =	sld [smem:$0x3FFC];
	_ =	sdelay $0x3  }
0x94: {  	_ =	strace s3  }
0x95: {  	s3 =	sld [smem:$0x3FFD];
	_ =	sdelay $0x3  }
0x96: {  	_ =	strace s3  }
0x97: {  	_ =	strace $0x8FFFFFFF  }
0x98: {  	s19 =	sld [smem:$0x3FDB];
	_ =	sdelay $0x1  }
0x99: {  	s4 =	simm.s32 $_scs_section_size  }
0x9a: {  	s5 =	simm.s32 $_size__tile_overlayer_lowered;
	s6 =	simm.s32 $_tile_overlayer_lowered  }
0x9b: {  	s22 =	simm.s32 $0x1BFF;
	s21 =	sshll.u32 s6, $0x1;
	s3 =	sadd.s32 s4, s19  }
0x9c: {  	s7 =	simm.s32 $0x0;
	s20 =	sshll.u32 s5, $0x1;
	s5 =	sadd.s32 s21, s3  }
0x9d: {  	[timem:s7], [sflag:s22] =	dma.local [hbm:s5], s20  }
0x9e: {  	_ =	swait.ge [sflag:s22], s20  }
0x9f: {  	s4 =	ssub.s32 $0x0, s20;
	[sflag:s22] =	ssyncset.done $0x0  }
0xa0: {  	[sflag:s22] =	ssyncadd.s32 s4;
	_ =	sdelay $0x1  }
0xa1: {  	s23 =	simm.s32 $0x1B8B  }
0xa2: {  	_ =	swait.ge [sflag:s23], $0x1  }
0xa3: {  	[sflag:s23] =	ssyncset.done $0x0  }
0xa4: {  	s25 =	simm.s32 $0x1B8E;
	s24 =	sld [smem:$0x3FFE];
	[sflag:s23] =	ssyncadd.s32 $0xFFFFFFFF  }
0xa5: {  	s26 =	simm.s32 $execute0_lowered;
	[smem:$0x3FD2] =	sst s25  }
0xa6: {  	s5 =	sshll.u32 s26, $0x1;
	_ =	strace $0x80000046;
	[dreg:$0x1] =	wrdreg $0xFFFFFFFF  }
0xa7: {  	s28 =	simm.s32 $_size_execute0_lowered;
	s3 =	sadd.s32 s3, s5;
	[dreg:$0x0] =	wrdreg $0x0  }
0xa8: {  	s5 =	sshll.u32 s28, $0x1;
	[dreg:$0x2] =	wrdreg s3  }
0xa9: {  	[dreg:$0x3] =	wrdreg s5  }
0xaa: {  	[dreg:$0x4] =	wrdreg $0xC0  }
0xab: {  	_ =	task [dreg:s7], $0x5FFFF  }
0xac: {  	[dreg:$0x1] =	wrdreg $0xFFFFFFFF  }
0xad: {  	[dreg:$0x0] =	wrdreg $0x60  }
0xae: {  	[dreg:$0x2] =	wrdreg s24  }
0xaf: {  	[dreg:$0x3] =	wrdreg s2  }
0xb0: {  	[dreg:$0x4] =	wrdreg $0x9  }
0xb1: {  	_ =	task.clear_ibuf [dreg:s7], $0x5FFFF;
	_ =	strace $0x90000046  }
0xb2: {  	s29 =	simm.s32 $0x9;
	_ =	strace $0x80000048  }
0xb3: {  	_ =	swait.ge [sflag:s29], $0x1  }
0xb4: {  	[sflag:s29] =	ssyncadd.s32 $0xFFFFFFFF  }
0xb5: {  	_ =	strace $0x90000048  }
0xb6: {  	_ =	sfence  }
0xb7: {  	s30 =	sld [smem:$0x0];
	_ =	sdelay $0x2  }
0xb8: {  	s31 =	sshll.u32 s1, $0xD;
	s1 =	sshrl.u32 s1, $0x2  }
0xb9: {  	s3 =	sand.u32 $0x4000, s31;
	s1 =	sadd.s32 s1, s30  }
0xba: {  	s0 =	sor.u32 s3, s0;
	s1 =	sshll.u32 s1, $0x11  }
0xbb: {  	s0 =	sor.u32 s1, s0  }
0xbc: {  	s0 =	sadd.s32 $0x8F2B, s0  }
0xbd: {  	[sflag:s0] =	ssyncadd.remote.s32 $0x1  }
0xbe: {  	_ =	sfence.sel $0xFFFF  }
0xbf: {  	[dreg:$0x0] =	wrdreg $0xFFFFFFFF;
	(pc) =	sbr.abs _section_cstart, $3  }
0xc0: {  	[dreg:$0x1] =	wrdreg $0xFFFFFFFF  }
0xc1: {  	_ =	task.clear_ibuf [dreg:s7], $0x2FFFF;
	_ =	strace $0x9FFFFFFF  }
0xc2: {  	(tm) =	ssettm $0x7FFFFFFF  }
0xc3: {  	_ =	shalt  }
tec
execute0_lowered:
.L_overlay_start_1:
0x0: {  	(tag) =	ssettag $0x1  }
0x1: {  	s0 =	rddreg [dreg:$0x0]  }
0x2: {  	s1 =	rddreg [dreg:$0x1]  }
0x3: {  	s3 =	srdreg.scid;
	s4 =	stileid.u32  }
0x4: {  	s2 =	simm.s32 $0x0;
	s30 =	simm.s32 $0x80;
	s31 =	simm.s32 $0x1400  }
0x5: {  	s8 =	simm.s32 $0x1;
	s3 =	sand.u32 $0x1, s3;
	s4 =	sshll.u32 s4, $0x1  }
0x6: {  	s9 =	simm.s32 $0x0;
	s28 =	simm.s32 $0xA00;
	s4 =	sor.u32 s3, s4  }
0x7: {  	s12 =	simm.s32 $0xC00;
	s13 =	simm.s32 $0xE00;
	s6 =	sshll.u32 s4, $0x6  }
0x8: {  	s5 =	ssub.s32 $0x2, s3;
	s3 =	sadd.s32 $0xF42A00, s0;
	s0 =	sadd.s32 s6, s0  }
0x9: {  	s29 =	simm.s32 $0x1000;
	[smem:$0x7FF] =	sst s2;
	s6 =	sadd.s32 $0x600, s0  }
0xa: {  	_ =	strace $0x80000047;
	s18 =	sadd.s32 $0xE00, s0;
	[dreg:$0x3] =	wrdreg s6  }
0xb: {  	s15 =	simm.s32 $0x1200;
	s19 =	sadd.s32 $0x1600, s0;
	[dreg:$0x4] =	wrdreg s18  }
0xc: {  	s7 =	sshrl.u32 s5, $0x1;
	s20 =	sadd.s32 $0x1E00, s0;
	[dreg:$0x5] =	wrdreg s19  }
0xd: {  	s4 =	sshll.u32 s4, $0xA;
	s21 =	sadd.s32 $0x2600, s0;
	[dreg:$0x6] =	wrdreg s20  }
0xe: {  	s5 =	ssub.s32 s5, s7;
	s22 =	sadd.s32 $0x2E00, s0;
	[dreg:$0x7] =	wrdreg s21  }
0xf: {  	s14 =	sadd.s32 s1, s4;
	s23 =	sadd.s32 $0x3600, s0;
	[dreg:$0x8] =	wrdreg s22  }
0x10: {  	s1 =	simm.s32 $0x1500;
	s24 =	sadd.s32 $0x3E00, s0;
	[dreg:$0x9] =	wrdreg s23  }
0x11: {  	s4 =	simm.s32 $0x1580;
	s25 =	sadd.s32 $0x4600, s0;
	[dreg:$0xa] =	wrdreg s24  }
0x12: {  	s7 =	simm.s32 $0x1800;
	s0 =	sadd.s32 $0x4E00, s0;
	[dreg:$0xb] =	wrdreg s25  }
0x13: {  	s26 =	sadd.s32 $0x100, s14;
	s16 =	sadd.s32 $0x200, s14;
	[dreg:$0xc] =	wrdreg s0  }
0x14: {  	s17 =	sadd.s32 $0x300, s14;
	[dreg:$0xd] =	wrdreg s26;
	s18 =	smax.u32 s5, $0x1  }
0x15: {  	s19 =	simm.s32 $0x2;
	s0 =	simm.s32 $0x1480;
	s5 =	simm.s32 $0x1600  }
0x16: {  	v0 =	vlaneseq.u32;
	s20 =	simm.s32 $0x1680;
	s6 =	simm.s32 $0x1700;
	s21 =	simm.s32 $0x1780  }
0x17: {  	v0 =	vmul.u32 $0x10, v0;
	s22 =	simm.s32 $0x1880;
	s23 =	simm.s32 $0x1900;
	s26 =	simm.s32 $0x800  }
.LBB2_1:
0x18: {  	s10 =	rddreg [dreg:$0x3]  }
0x19: {  	[tilespmem:s2], [sflag:$0x2] =	stream.linear.gather [hbm4b:s10+s2], $0x200, $0x38;
	[tilespmem:$0x2100] =	vst v63  }
0x1a: {  	_ =	swait.ge [sflag:s19], $0x200  }
0x1b: {  	[sflag:s19] =	ssyncset.done $0x0  }
0x1c: {  	s11 =	simm.s32 $0x200;
	s24 =	rddreg [dreg:$0x4];
	[sflag:s19] =	ssyncadd.s32 $0xFFFFFE00  }
0x1d: {  	[tilespmem:s11], [sflag:$0x2] =	stream.linear.gather [hbm4b:s24+s2], $0x200, $0x38;
	[tilespmem:$0x2100] =	vst v63  }
0x1e: {  	_ =	swait.ge [sflag:s19], $0x200  }
0x1f: {  	[sflag:s19] =	ssyncset.done $0x0  }
0x20: {  	s24 =	simm.s32 $0x400;
	s25 =	rddreg [dreg:$0x5];
	[sflag:s19] =	ssyncadd.s32 $0xFFFFFE00  }
0x21: {  	[tilespmem:s24], [sflag:$0x2] =	stream.linear.gather [hbm4b:s25+s2], $0x200, $0x38;
	[tilespmem:$0x2100] =	vst v63  }
0x22: {  	_ =	swait.ge [sflag:s19], $0x200  }
0x23: {  	[sflag:s19] =	ssyncset.done $0x0  }
0x24: {  	s25 =	simm.s32 $0x600;
	s10 =	rddreg [dreg:$0x6];
	[sflag:s19] =	ssyncadd.s32 $0xFFFFFE00  }
0x25: {  	[tilespmem:s25], [sflag:$0x2] =	stream.linear.gather [hbm4b:s10+s2], $0x200, $0x38;
	[tilespmem:$0x2100] =	vst v63  }
0x26: {  	_ =	swait.ge [sflag:s19], $0x200  }
0x27: {  	[sflag:s19] =	ssyncset.done $0x0  }
0x28: {  	s10 =	rddreg [dreg:$0x7];
	[sflag:s19] =	ssyncadd.s32 $0xFFFFFE00  }
0x29: {  	[tilespmem:s26], [sflag:$0x2] =	stream.linear.gather [hbm4b:s10+s2], $0x200, $0x38;
	[tilespmem:$0x2100] =	vst v63  }
0x2a: {  	_ =	swait.ge [sflag:s19], $0x200  }
0x2b: {  	[sflag:s19] =	ssyncset.done $0x0  }
0x2c: {  	s10 =	rddreg [dreg:$0x8];
	[sflag:s19] =	ssyncadd.s32 $0xFFFFFE00  }
0x2d: {  	[tilespmem:s28], [sflag:$0x2] =	stream.linear.gather [hbm4b:s10+s2], $0x200, $0x38;
	[tilespmem:$0x2100] =	vst v63  }
0x2e: {  	_ =	swait.ge [sflag:s19], $0x200  }
0x2f: {  	[sflag:s19] =	ssyncset.done $0x0  }
0x30: {  	s10 =	rddreg [dreg:$0x9];
	[sflag:s19] =	ssyncadd.s32 $0xFFFFFE00  }
0x31: {  	[tilespmem:s12], [sflag:$0x2] =	stream.linear.gather [hbm4b:s10+s2], $0x200, $0x38;
	[tilespmem:$0x2100] =	vst v63  }
0x32: {  	_ =	swait.ge [sflag:s19], $0x200  }
0x33: {  	[sflag:s19] =	ssyncset.done $0x0  }
0x34: {  	s10 =	rddreg [dreg:$0xa];
	[sflag:s19] =	ssyncadd.s32 $0xFFFFFE00  }
0x35: {  	[tilespmem:s13], [sflag:$0x2] =	stream.linear.gather [hbm4b:s10+s2], $0x200, $0x38;
	[tilespmem:$0x2100] =	vst v63  }
0x36: {  	_ =	swait.ge [sflag:s19], $0x200  }
0x37: {  	[sflag:s19] =	ssyncset.done $0x0  }
0x38: {  	s10 =	rddreg [dreg:$0xb];
	[sflag:s19] =	ssyncadd.s32 $0xFFFFFE00  }
0x39: {  	[tilespmem:s29], [sflag:$0x2] =	stream.linear.gather [hbm4b:s10+s2], $0x200, $0x38;
	[tilespmem:$0x2100] =	vst v63  }
0x3a: {  	_ =	swait.ge [sflag:s19], $0x200  }
0x3b: {  	[sflag:s19] =	ssyncset.done $0x0  }
0x3c: {  	s10 =	rddreg [dreg:$0xc];
	[sflag:s19] =	ssyncadd.s32 $0xFFFFFE00  }
0x3d: {  	[tilespmem:s15], [sflag:$0x2] =	stream.linear.gather [hbm4b:s10+s2], $0x200, $0x38;
	[tilespmem:$0x2100] =	vst v63  }
0x3e: {  	_ =	swait.ge [sflag:s19], $0x200  }
0x3f: {  	[sflag:s19] =	ssyncset.done $0x0  }
0x40: {  	[sflag:s19] =	ssyncadd.s32 $0xFFFFFE00  }
0x41: {  	[tilespmem:s31], [sflag:$0x1] =	stream.indirect.gather [hbm4b:s3+s30], $0x1, s2, s30, $0xb8;
	[tilespmem:$0x2100] =	vst v63  }
0x42: {  	_ = 	snop  }
0x43: {  	[tilespmem:s0], [sflag:$0x1] =	stream.indirect.gather [hbm4b:s3+s30], $0x1, s11, s30, $0xb8;
	[tilespmem:$0x2100] =	vst v63  }
0x44: {  	_ = 	snop  }
0x45: {  	[tilespmem:s1], [sflag:$0x1] =	stream.indirect.gather [hbm4b:s3+s30], $0x1, s24, s30, $0xb8;
	[tilespmem:$0x2100] =	vst v63  }
0x46: {  	_ = 	snop  }
0x47: {  	[tilespmem:s4], [sflag:$0x1] =	stream.indirect.gather [hbm4b:s3+s30], $0x1, s25, s30, $0xb8;
	[tilespmem:$0x2100] =	vst v63  }
0x48: {  	_ = 	snop  }
0x49: {  	[tilespmem:s5], [sflag:$0x1] =	stream.indirect.gather [hbm4b:s3+s30], $0x1, s26, s30, $0xb8;
	[tilespmem:$0x2100] =	vst v63  }
0x4a: {  	_ = 	snop  }
0x4b: {  	[tilespmem:s20], [sflag:$0x1] =	stream.indirect.gather [hbm4b:s3+s30], $0x1, s28, s30, $0xb8;
	[tilespmem:$0x2100] =	vst v63  }
0x4c: {  	_ = 	snop  }
0x4d: {  	[tilespmem:s6], [sflag:$0x1] =	stream.indirect.gather [hbm4b:s3+s30], $0x1, s12, s30, $0xb8;
	[tilespmem:$0x2100] =	vst v63  }
0x4e: {  	_ = 	snop  }
0x4f: {  	[tilespmem:s21], [sflag:$0x1] =	stream.indirect.gather [hbm4b:s3+s30], $0x1, s13, s30, $0xb8;
	[tilespmem:$0x2100] =	vst v63  }
0x50: {  	_ = 	snop  }
0x51: {  	[tilespmem:s7], [sflag:$0x1] =	stream.indirect.gather [hbm4b:s3+s30], $0x1, s29, s30, $0xb8;
	[tilespmem:$0x2100] =	vst v63  }
0x52: {  	_ = 	snop  }
0x53: {  	[tilespmem:s22], [sflag:$0x1] =	stream.indirect.gather [hbm4b:s3+s30], $0x1, s15, s30, $0xb8;
	[tilespmem:$0x2100] =	vst v63  }
0x54: {  	_ =	swait.ge [sflag:s8], $0x80  }
0x55: {  	[sflag:s8] =	ssyncset.done $0x0  }
0x56: {  	[sflag:s8] =	ssyncadd.s32 $0xFFFFFF80  }
0x57: {  	_ =	swait.ge [sflag:s8], $0x80  }
0x58: {  	[sflag:s8] =	ssyncset.done $0x0  }
0x59: {  	[sflag:s8] =	ssyncadd.s32 $0xFFFFFF80  }
0x5a: {  	_ =	swait.ge [sflag:s8], $0x80  }
0x5b: {  	[sflag:s8] =	ssyncset.done $0x0  }
0x5c: {  	[sflag:s8] =	ssyncadd.s32 $0xFFFFFF80  }
0x5d: {  	_ =	swait.ge [sflag:s8], $0x80  }
0x5e: {  	[sflag:s8] =	ssyncset.done $0x0  }
0x5f: {  	[sflag:s8] =	ssyncadd.s32 $0xFFFFFF80  }
0x60: {  	_ =	swait.ge [sflag:s8], $0x80  }
0x61: {  	[sflag:s8] =	ssyncset.done $0x0  }
0x62: {  	[sflag:s8] =	ssyncadd.s32 $0xFFFFFF80  }
0x63: {  	_ =	swait.ge [sflag:s8], $0x80  }
0x64: {  	[sflag:s8] =	ssyncset.done $0x0  }
0x65: {  	[sflag:s8] =	ssyncadd.s32 $0xFFFFFF80  }
0x66: {  	_ =	swait.ge [sflag:s8], $0x80  }
0x67: {  	[sflag:s8] =	ssyncset.done $0x0  }
0x68: {  	[sflag:s8] =	ssyncadd.s32 $0xFFFFFF80  }
0x69: {  	_ =	swait.ge [sflag:s8], $0x80  }
0x6a: {  	[sflag:s8] =	ssyncset.done $0x0  }
0x6b: {  	[sflag:s8] =	ssyncadd.s32 $0xFFFFFF80  }
0x6c: {  	_ =	swait.ge [sflag:s8], $0x80  }
0x6d: {  	[sflag:s8] =	ssyncset.done $0x0  }
0x6e: {  	[sflag:s8] =	ssyncadd.s32 $0xFFFFFF80  }
0x6f: {  	_ =	swait.ge [sflag:s8], $0x80  }
0x70: {  	v1 =	vmov s2;
	[sflag:s8] =	ssyncset.done $0x0  }
0x71: {  	v1 =	vshll.u32 v1, $0x4;
	s25 =	simm.s32 $0x0;
	[sflag:s8] =	ssyncadd.s32 $0xFFFFFF80  }
0x72: {  	v3 =	vor.u32 v0, v1;
	v2 =	vld [tilespmem:s25+$0x1400];
	_ =	sdelay $0x4  }
0x73: {  	[tilespmem:v3+s23+$0x0] =	vst.idx.msk $0xffff, v2  }
0x74: {  	v2 =	vor.u32 $0x1, v3;
	v1 =	vld [tilespmem:s25+$0x1480];
	_ =	sdelay $0x4  }
0x75: {  	[tilespmem:v2+s23+$0x0] =	vst.idx.msk $0xffff, v1  }
0x76: {  	v2 =	vor.u32 $0x2, v3;
	v1 =	vld [tilespmem:s25+$0x1500];
	_ =	sdelay $0x4  }
0x77: {  	[tilespmem:v2+s23+$0x0] =	vst.idx.msk $0xffff, v1  }
0x78: {  	v2 =	vor.u32 $0x3, v3;
	v1 =	vld [tilespmem:s25+$0x1580];
	_ =	sdelay $0x4  }
0x79: {  	[tilespmem:v2+s23+$0x0] =	vst.idx.msk $0xffff, v1  }
0x7a: {  	v2 =	vor.u32 $0x4, v3;
	v1 =	vld [tilespmem:s25+$0x1600];
	_ =	sdelay $0x4  }
0x7b: {  	[tilespmem:v2+s23+$0x0] =	vst.idx.msk $0xffff, v1  }
0x7c: {  	v2 =	vor.u32 $0x5, v3;
	v1 =	vld [tilespmem:s25+$0x1680];
	_ =	sdelay $0x4  }
0x7d: {  	[tilespmem:v2+s23+$0x0] =	vst.idx.msk $0xffff, v1  }
0x7e: {  	v2 =	vor.u32 $0x6, v3;
	v1 =	vld [tilespmem:s25+$0x1700];
	_ =	sdelay $0x4  }
0x7f: {  	[tilespmem:v2+s23+$0x0] =	vst.idx.msk $0xffff, v1  }
0x80: {  	v2 =	vor.u32 $0x7, v3;
	v1 =	vld [tilespmem:s25+$0x1780];
	_ =	sdelay $0x4  }
0x81: {  	[tilespmem:v2+s23+$0x0] =	vst.idx.msk $0xffff, v1  }
0x82: {  	v2 =	vor.u32 $0x8, v3;
	v1 =	vld [tilespmem:s25+$0x1800];
	_ =	sdelay $0x4  }
0x83: {  	[tilespmem:v2+s23+$0x0] =	vst.idx.msk $0xffff, v1  }
0x84: {  	v2 =	vor.u32 $0x9, v3;
	v1 =	vld [tilespmem:s25+$0x1880];
	_ =	sdelay $0x2  }
0x85: {  	s24 =	simm.s32 $0x10  }
0x86: {  	s10 =	simm.s32 $0x40;
	v3 =	vmov s24;
	s25 =	simm.s32 $0x80  }
.LBB2_2:
0x87: {  	p0 =	sne.s32 s25, $0x1C0;
	v3 =	vshll.u32 v3, $0x4;
	s11 =	sshra.s32 s10, $0x2;
	[tilespmem:v2+s23+$0x0] =	vst.idx.msk $0xffff, v1;
	s10 =	smov.u32 s25  }
0x88: {  	v1 =	vld [tilespmem:s11+$0x1400];
	v2 =	vor.u32 v0, v3;
	_ =	sdelay $0x4  }
0x89: {  	[tilespmem:v2+s23+$0x0] =	vst.idx.msk $0xffff, v1  }
0x8a: {  	v3 =	vor.u32 $0x1, v2;
	v1 =	vld [tilespmem:s11+$0x1480];
	_ =	sdelay $0x4  }
0x8b: {  	[tilespmem:v3+s23+$0x0] =	vst.idx.msk $0xffff, v1  }
0x8c: {  	v3 =	vor.u32 $0x2, v2;
	v1 =	vld [tilespmem:s11+$0x1500];
	_ =	sdelay $0x4  }
0x8d: {  	[tilespmem:v3+s23+$0x0] =	vst.idx.msk $0xffff, v1  }
0x8e: {  	v3 =	vor.u32 $0x3, v2;
	v1 =	vld [tilespmem:s11+$0x1580];
	_ =	sdelay $0x4  }
0x8f: {  	[tilespmem:v3+s23+$0x0] =	vst.idx.msk $0xffff, v1  }
0x90: {  	v3 =	vor.u32 $0x4, v2;
	v1 =	vld [tilespmem:s11+$0x1600];
	_ =	sdelay $0x4  }
0x91: {  	[tilespmem:v3+s23+$0x0] =	vst.idx.msk $0xffff, v1  }
0x92: {  	v3 =	vor.u32 $0x5, v2;
	v1 =	vld [tilespmem:s11+$0x1680];
	_ =	sdelay $0x4  }
0x93: {  	[tilespmem:v3+s23+$0x0] =	vst.idx.msk $0xffff, v1  }
0x94: {  	v3 =	vor.u32 $0x6, v2;
	v1 =	vld [tilespmem:s11+$0x1700];
	_ =	sdelay $0x4  }
0x95: {  	[tilespmem:v3+s23+$0x0] =	vst.idx.msk $0xffff, v1  }
0x96: {  	v3 =	vor.u32 $0x7, v2;
	v1 =	vld [tilespmem:s11+$0x1780];
	_ =	sdelay $0x4  }
0x97: {  	[tilespmem:v3+s23+$0x0] =	vst.idx.msk $0xffff, v1  }
0x98: {  	v3 =	vor.u32 $0x8, v2;
	v1 =	vld [tilespmem:s11+$0x1800];
	_ =	sdelay $0x4  }
0x99: {  	[tilespmem:v3+s23+$0x0] =	vst.idx.msk $0xffff, v1  }
.Ltmp0:
0x9a: {  	v2 =	vor.u32 $0x9, v2;
	v1 =	vld [tilespmem:s11+$0x1880];
	(pc) =	sbr.rel @p0 .LBB2_2-.Ltmp0, $3  }
0x9b: {  	_ =	sdelay $0x1  }
0x9c: {  	s24 =	sadd.s32 $0x10, s24  }
0x9d: {  	s25 =	sadd.s32 $0x40, s25;
	v3 =	vmov s24  }
0x9e: {  	_ =	sdelay $0x3  }
0x9f: {  	v3 =	vshll.u32 v3, $0x4;
	s10 =	sshra.s32 s10, $0x2;
	[tilespmem:v2+s23+$0x0] =	vst.idx.msk $0xffff, v1  }
0xa0: {  	v1 =	vld [tilespmem:s10+$0x1400];
	v2 =	vor.u32 v0, v3;
	_ =	sdelay $0x4  }
0xa1: {  	[tilespmem:v2+s23+$0x0] =	vst.idx.msk $0xffff, v1  }
0xa2: {  	v3 =	vor.u32 $0x1, v2;
	v1 =	vld [tilespmem:s10+$0x1480];
	_ =	sdelay $0x4  }
0xa3: {  	[tilespmem:v3+s23+$0x0] =	vst.idx.msk $0xffff, v1  }
0xa4: {  	v3 =	vor.u32 $0x2, v2;
	v1 =	vld [tilespmem:s10+$0x1500];
	_ =	sdelay $0x4  }
0xa5: {  	[tilespmem:v3+s23+$0x0] =	vst.idx.msk $0xffff, v1  }
0xa6: {  	v3 =	vor.u32 $0x3, v2;
	v1 =	vld [tilespmem:s10+$0x1580];
	_ =	sdelay $0x4  }
0xa7: {  	[tilespmem:v3+s23+$0x0] =	vst.idx.msk $0xffff, v1  }
0xa8: {  	v3 =	vor.u32 $0x4, v2;
	v1 =	vld [tilespmem:s10+$0x1600];
	_ =	sdelay $0x4  }
0xa9: {  	[tilespmem:v3+s23+$0x0] =	vst.idx.msk $0xffff, v1  }
0xaa: {  	v3 =	vor.u32 $0x5, v2;
	v1 =	vld [tilespmem:s10+$0x1680];
	_ =	sdelay $0x4  }
0xab: {  	[tilespmem:v3+s23+$0x0] =	vst.idx.msk $0xffff, v1  }
0xac: {  	v3 =	vor.u32 $0x6, v2;
	v1 =	vld [tilespmem:s10+$0x1700];
	_ =	sdelay $0x4  }
0xad: {  	[tilespmem:v3+s23+$0x0] =	vst.idx.msk $0xffff, v1  }
0xae: {  	v3 =	vor.u32 $0x7, v2;
	v1 =	vld [tilespmem:s10+$0x1780];
	_ =	sdelay $0x4  }
0xaf: {  	[tilespmem:v3+s23+$0x0] =	vst.idx.msk $0xffff, v1  }
0xb0: {  	v3 =	vor.u32 $0x8, v2;
	v1 =	vld [tilespmem:s10+$0x1800];
	_ =	sdelay $0x4  }
0xb1: {  	[tilespmem:v3+s23+$0x0] =	vst.idx.msk $0xffff, v1  }
0xb2: {  	v2 =	vor.u32 $0x9, v2;
	v1 =	vld [tilespmem:s10+$0x1880];
	_ =	sdelay $0x4  }
0xb3: {  	s10 =	simm.s32 $0x0;
	[tilespmem:v2+s23+$0x0] =	vst.idx.msk $0xffff, v1  }
0xb4: {  	[hbm4b:s14+s10] =	stream.linear.scatter [tilespmem:s23], [sflag:$0x2], $0x800, $0x38;
	[tilespmem:$0x2100] =	vst v63  }
0xb5: {  	_ =	swait.ge [sflag:s19], $0x800  }
0xb6: {  	[sflag:s19] =	ssyncset.done $0x0  }
0xb7: {  	[sflag:s19] =	ssyncadd.s32 $0xFFFFF800  }
0xb8: {  	[tilespmem:s31], [sflag:$0x1] =	stream.indirect.gather [hbm4b:s3+s30], $0x1, s30, s30, $0xb8;
	[tilespmem:$0x2100] =	vst v63  }
0xb9: {  	s11 =	simm.s32 $0x280  }
0xba: {  	[tilespmem:s0], [sflag:$0x1] =	stream.indirect.gather [hbm4b:s3+s30], $0x1, s11, s30, $0xb8;
	[tilespmem:$0x2100] =	vst v63  }
0xbb: {  	s25 =	simm.s32 $0x480  }
0xbc: {  	[tilespmem:s1], [sflag:$0x1] =	stream.indirect.gather [hbm4b:s3+s30], $0x1, s25, s30, $0xb8;
	[tilespmem:$0x2100] =	vst v63  }
0xbd: {  	s24 =	simm.s32 $0x680  }
0xbe: {  	[tilespmem:s4], [sflag:$0x1] =	stream.indirect.gather [hbm4b:s3+s30], $0x1, s24, s30, $0xb8;
	[tilespmem:$0x2100] =	vst v63  }
0xbf: {  	s25 =	simm.s32 $0x880  }
0xc0: {  	[tilespmem:s5], [sflag:$0x1] =	stream.indirect.gather [hbm4b:s3+s30], $0x1, s25, s30, $0xb8;
	[tilespmem:$0x2100] =	vst v63  }
0xc1: {  	s24 =	simm.s32 $0xA80  }
0xc2: {  	[tilespmem:s20], [sflag:$0x1] =	stream.indirect.gather [hbm4b:s3+s30], $0x1, s24, s30, $0xb8;
	[tilespmem:$0x2100] =	vst v63  }
0xc3: {  	s25 =	simm.s32 $0xC80  }
0xc4: {  	[tilespmem:s6], [sflag:$0x1] =	stream.indirect.gather [hbm4b:s3+s30], $0x1, s25, s30, $0xb8;
	[tilespmem:$0x2100] =	vst v63  }
0xc5: {  	s24 =	simm.s32 $0xE80  }
0xc6: {  	[tilespmem:s21], [sflag:$0x1] =	stream.indirect.gather [hbm4b:s3+s30], $0x1, s24, s30, $0xb8;
	[tilespmem:$0x2100] =	vst v63  }
0xc7: {  	s25 =	simm.s32 $0x1080  }
0xc8: {  	[tilespmem:s7], [sflag:$0x1] =	stream.indirect.gather [hbm4b:s3+s30], $0x1, s25, s30, $0xb8;
	[tilespmem:$0x2100] =	vst v63  }
0xc9: {  	s24 =	simm.s32 $0x1280  }
0xca: {  	[tilespmem:s22], [sflag:$0x1] =	stream.indirect.gather [hbm4b:s3+s30], $0x1, s24, s30, $0xb8;
	[tilespmem:$0x2100] =	vst v63  }
0xcb: {  	_ =	swait.ge [sflag:s8], $0x80  }
0xcc: {  	[sflag:s8] =	ssyncset.done $0x0  }
0xcd: {  	[sflag:s8] =	ssyncadd.s32 $0xFFFFFF80  }
0xce: {  	_ =	swait.ge [sflag:s8], $0x80  }
0xcf: {  	[sflag:s8] =	ssyncset.done $0x0  }
0xd0: {  	[sflag:s8] =	ssyncadd.s32 $0xFFFFFF80  }
0xd1: {  	_ =	swait.ge [sflag:s8], $0x80  }
0xd2: {  	[sflag:s8] =	ssyncset.done $0x0  }
0xd3: {  	[sflag:s8] =	ssyncadd.s32 $0xFFFFFF80  }
0xd4: {  	_ =	swait.ge [sflag:s8], $0x80  }
0xd5: {  	[sflag:s8] =	ssyncset.done $0x0  }
0xd6: {  	[sflag:s8] =	ssyncadd.s32 $0xFFFFFF80  }
0xd7: {  	_ =	swait.ge [sflag:s8], $0x80  }
0xd8: {  	[sflag:s8] =	ssyncset.done $0x0  }
0xd9: {  	[sflag:s8] =	ssyncadd.s32 $0xFFFFFF80  }
0xda: {  	_ =	swait.ge [sflag:s8], $0x80  }
0xdb: {  	[sflag:s8] =	ssyncset.done $0x0  }
0xdc: {  	[sflag:s8] =	ssyncadd.s32 $0xFFFFFF80  }
0xdd: {  	_ =	swait.ge [sflag:s8], $0x80  }
0xde: {  	[sflag:s8] =	ssyncset.done $0x0  }
0xdf: {  	[sflag:s8] =	ssyncadd.s32 $0xFFFFFF80  }
0xe0: {  	_ =	swait.ge [sflag:s8], $0x80  }
0xe1: {  	[sflag:s8] =	ssyncset.done $0x0  }
0xe2: {  	[sflag:s8] =	ssyncadd.s32 $0xFFFFFF80  }
0xe3: {  	_ =	swait.ge [sflag:s8], $0x80  }
0xe4: {  	[sflag:s8] =	ssyncset.done $0x0  }
0xe5: {  	[sflag:s8] =	ssyncadd.s32 $0xFFFFFF80  }
0xe6: {  	_ =	swait.ge [sflag:s8], $0x80  }
0xe7: {  	v1 =	vmov s10;
	[sflag:s8] =	ssyncset.done $0x0  }
0xe8: {  	v1 =	vshll.u32 v1, $0x4;
	s25 =	simm.s32 $0x0;
	[sflag:s8] =	ssyncadd.s32 $0xFFFFFF80  }
0xe9: {  	v3 =	vor.u32 v0, v1;
	v2 =	vld [tilespmem:s25+$0x1400];
	_ =	sdelay $0x4  }
0xea: {  	[tilespmem:v3+s23+$0x0] =	vst.idx.msk $0xffff, v2  }
0xeb: {  	v2 =	vor.u32 $0x1, v3;
	v1 =	vld [tilespmem:s25+$0x1480];
	_ =	sdelay $0x4  }
0xec: {  	[tilespmem:v2+s23+$0x0] =	vst.idx.msk $0xffff, v1  }
0xed: {  	v2 =	vor.u32 $0x2, v3;
	v1 =	vld [tilespmem:s25+$0x1500];
	_ =	sdelay $0x4  }
0xee: {  	[tilespmem:v2+s23+$0x0] =	vst.idx.msk $0xffff, v1  }
0xef: {  	v2 =	vor.u32 $0x3, v3;
	v1 =	vld [tilespmem:s25+$0x1580];
	_ =	sdelay $0x4  }
0xf0: {  	[tilespmem:v2+s23+$0x0] =	vst.idx.msk $0xffff, v1  }
0xf1: {  	v2 =	vor.u32 $0x4, v3;
	v1 =	vld [tilespmem:s25+$0x1600];
	_ =	sdelay $0x4  }
0xf2: {  	[tilespmem:v2+s23+$0x0] =	vst.idx.msk $0xffff, v1  }
0xf3: {  	v2 =	vor.u32 $0x5, v3;
	v1 =	vld [tilespmem:s25+$0x1680];
	_ =	sdelay $0x4  }
0xf4: {  	[tilespmem:v2+s23+$0x0] =	vst.idx.msk $0xffff, v1  }
0xf5: {  	v2 =	vor.u32 $0x6, v3;
	v1 =	vld [tilespmem:s25+$0x1700];
	_ =	sdelay $0x4  }
0xf6: {  	[tilespmem:v2+s23+$0x0] =	vst.idx.msk $0xffff, v1  }
0xf7: {  	v2 =	vor.u32 $0x7, v3;
	v1 =	vld [tilespmem:s25+$0x1780];
	_ =	sdelay $0x4  }
0xf8: {  	[tilespmem:v2+s23+$0x0] =	vst.idx.msk $0xffff, v1  }
0xf9: {  	v2 =	vor.u32 $0x8, v3;
	v1 =	vld [tilespmem:s25+$0x1800];
	_ =	sdelay $0x4  }
0xfa: {  	[tilespmem:v2+s23+$0x0] =	vst.idx.msk $0xffff, v1  }
0xfb: {  	v2 =	vor.u32 $0x9, v3;
	v1 =	vld [tilespmem:s25+$0x1880];
	_ =	sdelay $0x2  }
0xfc: {  	s24 =	simm.s32 $0x10  }
0xfd: {  	s10 =	simm.s32 $0x40;
	v3 =	vmov s24;
	s25 =	simm.s32 $0x80  }
.LBB2_4:
0xfe: {  	p0 =	sne.s32 s25, $0x1C0;
	v3 =	vshll.u32 v3, $0x4;
	s11 =	sshra.s32 s10, $0x2;
	[tilespmem:v2+s23+$0x0] =	vst.idx.msk $0xffff, v1;
	s10 =	smov.u32 s25  }
0xff: {  	v1 =	vld [tilespmem:s11+$0x1400];
	v2 =	vor.u32 v0, v3;
	_ =	sdelay $0x4  }
0x100: {  	[tilespmem:v2+s23+$0x0] =	vst.idx.msk $0xffff, v1  }
0x101: {  	v3 =	vor.u32 $0x1, v2;
	v1 =	vld [tilespmem:s11+$0x1480];
	_ =	sdelay $0x4  }
0x102: {  	[tilespmem:v3+s23+$0x0] =	vst.idx.msk $0xffff, v1  }
0x103: {  	v3 =	vor.u32 $0x2, v2;
	v1 =	vld [tilespmem:s11+$0x1500];
	_ =	sdelay $0x4  }
0x104: {  	[tilespmem:v3+s23+$0x0] =	vst.idx.msk $0xffff, v1  }
0x105: {  	v3 =	vor.u32 $0x3, v2;
	v1 =	vld [tilespmem:s11+$0x1580];
	_ =	sdelay $0x4  }
0x106: {  	[tilespmem:v3+s23+$0x0] =	vst.idx.msk $0xffff, v1  }
0x107: {  	v3 =	vor.u32 $0x4, v2;
	v1 =	vld [tilespmem:s11+$0x1600];
	_ =	sdelay $0x4  }
0x108: {  	[tilespmem:v3+s23+$0x0] =	vst.idx.msk $0xffff, v1  }
0x109: {  	v3 =	vor.u32 $0x5, v2;
	v1 =	vld [tilespmem:s11+$0x1680];
	_ =	sdelay $0x4  }
0x10a: {  	[tilespmem:v3+s23+$0x0] =	vst.idx.msk $0xffff, v1  }
0x10b: {  	v3 =	vor.u32 $0x6, v2;
	v1 =	vld [tilespmem:s11+$0x1700];
	_ =	sdelay $0x4  }
0x10c: {  	[tilespmem:v3+s23+$0x0] =	vst.idx.msk $0xffff, v1  }
0x10d: {  	v3 =	vor.u32 $0x7, v2;
	v1 =	vld [tilespmem:s11+$0x1780];
	_ =	sdelay $0x4  }
0x10e: {  	[tilespmem:v3+s23+$0x0] =	vst.idx.msk $0xffff, v1  }
0x10f: {  	v3 =	vor.u32 $0x8, v2;
	v1 =	vld [tilespmem:s11+$0x1800];
	_ =	sdelay $0x4  }
0x110: {  	[tilespmem:v3+s23+$0x0] =	vst.idx.msk $0xffff, v1  }
.Ltmp1:
0x111: {  	v2 =	vor.u32 $0x9, v2;
	v1 =	vld [tilespmem:s11+$0x1880];
	(pc) =	sbr.rel @p0 .LBB2_4-.Ltmp1, $3  }
0x112: {  	_ =	sdelay $0x1  }
0x113: {  	s24 =	sadd.s32 $0x10, s24  }
0x114: {  	s25 =	sadd.s32 $0x40, s25;
	v3 =	vmov s24  }
0x115: {  	_ =	sdelay $0x3  }
0x116: {  	v3 =	vshll.u32 v3, $0x4;
	s10 =	sshra.s32 s10, $0x2;
	[tilespmem:v2+s23+$0x0] =	vst.idx.msk $0xffff, v1  }
0x117: {  	v1 =	vld [tilespmem:s10+$0x1400];
	v2 =	vor.u32 v0, v3;
	_ =	sdelay $0x4  }
0x118: {  	[tilespmem:v2+s23+$0x0] =	vst.idx.msk $0xffff, v1  }
0x119: {  	v3 =	vor.u32 $0x1, v2;
	v1 =	vld [tilespmem:s10+$0x1480];
	_ =	sdelay $0x4  }
0x11a: {  	[tilespmem:v3+s23+$0x0] =	vst.idx.msk $0xffff, v1  }
0x11b: {  	v3 =	vor.u32 $0x2, v2;
	v1 =	vld [tilespmem:s10+$0x1500];
	_ =	sdelay $0x4  }
0x11c: {  	[tilespmem:v3+s23+$0x0] =	vst.idx.msk $0xffff, v1  }
0x11d: {  	v3 =	vor.u32 $0x3, v2;
	v1 =	vld [tilespmem:s10+$0x1580];
	_ =	sdelay $0x4  }
0x11e: {  	[tilespmem:v3+s23+$0x0] =	vst.idx.msk $0xffff, v1  }
0x11f: {  	v3 =	vor.u32 $0x4, v2;
	v1 =	vld [tilespmem:s10+$0x1600];
	_ =	sdelay $0x4  }
0x120: {  	[tilespmem:v3+s23+$0x0] =	vst.idx.msk $0xffff, v1  }
0x121: {  	v3 =	vor.u32 $0x5, v2;
	v1 =	vld [tilespmem:s10+$0x1680];
	_ =	sdelay $0x4  }
0x122: {  	[tilespmem:v3+s23+$0x0] =	vst.idx.msk $0xffff, v1  }
0x123: {  	v3 =	vor.u32 $0x6, v2;
	v1 =	vld [tilespmem:s10+$0x1700];
	_ =	sdelay $0x4  }
0x124: {  	[tilespmem:v3+s23+$0x0] =	vst.idx.msk $0xffff, v1  }
0x125: {  	v3 =	vor.u32 $0x7, v2;
	v1 =	vld [tilespmem:s10+$0x1780];
	_ =	sdelay $0x4  }
0x126: {  	[tilespmem:v3+s23+$0x0] =	vst.idx.msk $0xffff, v1  }
0x127: {  	v3 =	vor.u32 $0x8, v2;
	v1 =	vld [tilespmem:s10+$0x1800];
	_ =	sdelay $0x4  }
0x128: {  	[tilespmem:v3+s23+$0x0] =	vst.idx.msk $0xffff, v1  }
0x129: {  	v2 =	vor.u32 $0x9, v2;
	v1 =	vld [tilespmem:s10+$0x1880];
	_ =	sdelay $0x4  }
0x12a: {  	s11 =	rddreg [dreg:$0xd];
	s10 =	simm.s32 $0x0;
	[tilespmem:v2+s23+$0x0] =	vst.idx.msk $0xffff, v1  }
0x12b: {  	[hbm4b:s11+s10] =	stream.linear.scatter [tilespmem:s23], [sflag:$0x2], $0x800, $0x38;
	[tilespmem:$0x2100] =	vst v63  }
0x12c: {  	_ =	swait.ge [sflag:s19], $0x800  }
0x12d: {  	[sflag:s19] =	ssyncset.done $0x0  }
0x12e: {  	s25 =	simm.s32 $0x100;
	[sflag:s19] =	ssyncadd.s32 $0xFFFFF800  }
0x12f: {  	[tilespmem:s31], [sflag:$0x1] =	stream.indirect.gather [hbm4b:s3+s30], $0x1, s25, s30, $0xb8;
	[tilespmem:$0x2100] =	vst v63  }
0x130: {  	s24 =	simm.s32 $0x300  }
0x131: {  	[tilespmem:s0], [sflag:$0x1] =	stream.indirect.gather [hbm4b:s3+s30], $0x1, s24, s30, $0xb8;
	[tilespmem:$0x2100] =	vst v63  }
0x132: {  	s25 =	simm.s32 $0x500  }
0x133: {  	[tilespmem:s1], [sflag:$0x1] =	stream.indirect.gather [hbm4b:s3+s30], $0x1, s25, s30, $0xb8;
	[tilespmem:$0x2100] =	vst v63  }
0x134: {  	s24 =	simm.s32 $0x700  }
0x135: {  	[tilespmem:s4], [sflag:$0x1] =	stream.indirect.gather [hbm4b:s3+s30], $0x1, s24, s30, $0xb8;
	[tilespmem:$0x2100] =	vst v63  }
0x136: {  	s25 =	simm.s32 $0x900  }
0x137: {  	[tilespmem:s5], [sflag:$0x1] =	stream.indirect.gather [hbm4b:s3+s30], $0x1, s25, s30, $0xb8;
	[tilespmem:$0x2100] =	vst v63  }
0x138: {  	s24 =	simm.s32 $0xB00  }
0x139: {  	[tilespmem:s20], [sflag:$0x1] =	stream.indirect.gather [hbm4b:s3+s30], $0x1, s24, s30, $0xb8;
	[tilespmem:$0x2100] =	vst v63  }
0x13a: {  	s25 =	simm.s32 $0xD00  }
0x13b: {  	[tilespmem:s6], [sflag:$0x1] =	stream.indirect.gather [hbm4b:s3+s30], $0x1, s25, s30, $0xb8;
	[tilespmem:$0x2100] =	vst v63  }
0x13c: {  	s24 =	simm.s32 $0xF00  }
0x13d: {  	[tilespmem:s21], [sflag:$0x1] =	stream.indirect.gather [hbm4b:s3+s30], $0x1, s24, s30, $0xb8;
	[tilespmem:$0x2100] =	vst v63  }
0x13e: {  	s25 =	simm.s32 $0x1100  }
0x13f: {  	[tilespmem:s7], [sflag:$0x1] =	stream.indirect.gather [hbm4b:s3+s30], $0x1, s25, s30, $0xb8;
	[tilespmem:$0x2100] =	vst v63  }
0x140: {  	s24 =	simm.s32 $0x1300  }
0x141: {  	[tilespmem:s22], [sflag:$0x1] =	stream.indirect.gather [hbm4b:s3+s30], $0x1, s24, s30, $0xb8;
	[tilespmem:$0x2100] =	vst v63  }
0x142: {  	_ =	swait.ge [sflag:s8], $0x80  }
0x143: {  	[sflag:s8] =	ssyncset.done $0x0  }
0x144: {  	[sflag:s8] =	ssyncadd.s32 $0xFFFFFF80  }
0x145: {  	_ =	swait.ge [sflag:s8], $0x80  }
0x146: {  	[sflag:s8] =	ssyncset.done $0x0  }
0x147: {  	[sflag:s8] =	ssyncadd.s32 $0xFFFFFF80  }
0x148: {  	_ =	swait.ge [sflag:s8], $0x80  }
0x149: {  	[sflag:s8] =	ssyncset.done $0x0  }
0x14a: {  	[sflag:s8] =	ssyncadd.s32 $0xFFFFFF80  }
0x14b: {  	_ =	swait.ge [sflag:s8], $0x80  }
0x14c: {  	[sflag:s8] =	ssyncset.done $0x0  }
0x14d: {  	[sflag:s8] =	ssyncadd.s32 $0xFFFFFF80  }
0x14e: {  	_ =	swait.ge [sflag:s8], $0x80  }
0x14f: {  	[sflag:s8] =	ssyncset.done $0x0  }
0x150: {  	[sflag:s8] =	ssyncadd.s32 $0xFFFFFF80  }
0x151: {  	_ =	swait.ge [sflag:s8], $0x80  }
0x152: {  	[sflag:s8] =	ssyncset.done $0x0  }
0x153: {  	[sflag:s8] =	ssyncadd.s32 $0xFFFFFF80  }
0x154: {  	_ =	swait.ge [sflag:s8], $0x80  }
0x155: {  	[sflag:s8] =	ssyncset.done $0x0  }
0x156: {  	[sflag:s8] =	ssyncadd.s32 $0xFFFFFF80  }
0x157: {  	_ =	swait.ge [sflag:s8], $0x80  }
0x158: {  	[sflag:s8] =	ssyncset.done $0x0  }
0x159: {  	[sflag:s8] =	ssyncadd.s32 $0xFFFFFF80  }
0x15a: {  	_ =	swait.ge [sflag:s8], $0x80  }
0x15b: {  	[sflag:s8] =	ssyncset.done $0x0  }
0x15c: {  	[sflag:s8] =	ssyncadd.s32 $0xFFFFFF80  }
0x15d: {  	_ =	swait.ge [sflag:s8], $0x80  }
0x15e: {  	v1 =	vmov s10;
	[sflag:s8] =	ssyncset.done $0x0  }
0x15f: {  	v1 =	vshll.u32 v1, $0x4;
	s25 =	simm.s32 $0x0;
	[sflag:s8] =	ssyncadd.s32 $0xFFFFFF80  }
0x160: {  	v3 =	vor.u32 v0, v1;
	v2 =	vld [tilespmem:s25+$0x1400];
	_ =	sdelay $0x4  }
0x161: {  	[tilespmem:v3+s23+$0x0] =	vst.idx.msk $0xffff, v2  }
0x162: {  	v2 =	vor.u32 $0x1, v3;
	v1 =	vld [tilespmem:s25+$0x1480];
	_ =	sdelay $0x4  }
0x163: {  	[tilespmem:v2+s23+$0x0] =	vst.idx.msk $0xffff, v1  }
0x164: {  	v2 =	vor.u32 $0x2, v3;
	v1 =	vld [tilespmem:s25+$0x1500];
	_ =	sdelay $0x4  }
0x165: {  	[tilespmem:v2+s23+$0x0] =	vst.idx.msk $0xffff, v1  }
0x166: {  	v2 =	vor.u32 $0x3, v3;
	v1 =	vld [tilespmem:s25+$0x1580];
	_ =	sdelay $0x4  }
0x167: {  	[tilespmem:v2+s23+$0x0] =	vst.idx.msk $0xffff, v1  }
0x168: {  	v2 =	vor.u32 $0x4, v3;
	v1 =	vld [tilespmem:s25+$0x1600];
	_ =	sdelay $0x4  }
0x169: {  	[tilespmem:v2+s23+$0x0] =	vst.idx.msk $0xffff, v1  }
0x16a: {  	v2 =	vor.u32 $0x5, v3;
	v1 =	vld [tilespmem:s25+$0x1680];
	_ =	sdelay $0x4  }
0x16b: {  	[tilespmem:v2+s23+$0x0] =	vst.idx.msk $0xffff, v1  }
0x16c: {  	v2 =	vor.u32 $0x6, v3;
	v1 =	vld [tilespmem:s25+$0x1700];
	_ =	sdelay $0x4  }
0x16d: {  	[tilespmem:v2+s23+$0x0] =	vst.idx.msk $0xffff, v1  }
0x16e: {  	v2 =	vor.u32 $0x7, v3;
	v1 =	vld [tilespmem:s25+$0x1780];
	_ =	sdelay $0x4  }
0x16f: {  	[tilespmem:v2+s23+$0x0] =	vst.idx.msk $0xffff, v1  }
0x170: {  	v2 =	vor.u32 $0x8, v3;
	v1 =	vld [tilespmem:s25+$0x1800];
	_ =	sdelay $0x4  }
0x171: {  	[tilespmem:v2+s23+$0x0] =	vst.idx.msk $0xffff, v1  }
0x172: {  	v2 =	vor.u32 $0x9, v3;
	v1 =	vld [tilespmem:s25+$0x1880];
	_ =	sdelay $0x2  }
0x173: {  	s24 =	simm.s32 $0x10  }
0x174: {  	s10 =	simm.s32 $0x40;
	v3 =	vmov s24;
	s25 =	simm.s32 $0x80  }
.LBB2_6:
0x175: {  	p0 =	sne.s32 s25, $0x1C0;
	v3 =	vshll.u32 v3, $0x4;
	s11 =	sshra.s32 s10, $0x2;
	[tilespmem:v2+s23+$0x0] =	vst.idx.msk $0xffff, v1;
	s10 =	smov.u32 s25  }
0x176: {  	v1 =	vld [tilespmem:s11+$0x1400];
	v2 =	vor.u32 v0, v3;
	_ =	sdelay $0x4  }
0x177: {  	[tilespmem:v2+s23+$0x0] =	vst.idx.msk $0xffff, v1  }
0x178: {  	v3 =	vor.u32 $0x1, v2;
	v1 =	vld [tilespmem:s11+$0x1480];
	_ =	sdelay $0x4  }
0x179: {  	[tilespmem:v3+s23+$0x0] =	vst.idx.msk $0xffff, v1  }
0x17a: {  	v3 =	vor.u32 $0x2, v2;
	v1 =	vld [tilespmem:s11+$0x1500];
	_ =	sdelay $0x4  }
0x17b: {  	[tilespmem:v3+s23+$0x0] =	vst.idx.msk $0xffff, v1  }
0x17c: {  	v3 =	vor.u32 $0x3, v2;
	v1 =	vld [tilespmem:s11+$0x1580];
	_ =	sdelay $0x4  }
0x17d: {  	[tilespmem:v3+s23+$0x0] =	vst.idx.msk $0xffff, v1  }
0x17e: {  	v3 =	vor.u32 $0x4, v2;
	v1 =	vld [tilespmem:s11+$0x1600];
	_ =	sdelay $0x4  }
0x17f: {  	[tilespmem:v3+s23+$0x0] =	vst.idx.msk $0xffff, v1  }
0x180: {  	v3 =	vor.u32 $0x5, v2;
	v1 =	vld [tilespmem:s11+$0x1680];
	_ =	sdelay $0x4  }
0x181: {  	[tilespmem:v3+s23+$0x0] =	vst.idx.msk $0xffff, v1  }
0x182: {  	v3 =	vor.u32 $0x6, v2;
	v1 =	vld [tilespmem:s11+$0x1700];
	_ =	sdelay $0x4  }
0x183: {  	[tilespmem:v3+s23+$0x0] =	vst.idx.msk $0xffff, v1  }
0x184: {  	v3 =	vor.u32 $0x7, v2;
	v1 =	vld [tilespmem:s11+$0x1780];
	_ =	sdelay $0x4  }
0x185: {  	[tilespmem:v3+s23+$0x0] =	vst.idx.msk $0xffff, v1  }
0x186: {  	v3 =	vor.u32 $0x8, v2;
	v1 =	vld [tilespmem:s11+$0x1800];
	_ =	sdelay $0x4  }
0x187: {  	[tilespmem:v3+s23+$0x0] =	vst.idx.msk $0xffff, v1  }
.Ltmp2:
0x188: {  	v2 =	vor.u32 $0x9, v2;
	v1 =	vld [tilespmem:s11+$0x1880];
	(pc) =	sbr.rel @p0 .LBB2_6-.Ltmp2, $3  }
0x189: {  	_ =	sdelay $0x1  }
0x18a: {  	s24 =	sadd.s32 $0x10, s24  }
0x18b: {  	s25 =	sadd.s32 $0x40, s25;
	v3 =	vmov s24  }
0x18c: {  	_ =	sdelay $0x3  }
0x18d: {  	v3 =	vshll.u32 v3, $0x4;
	s10 =	sshra.s32 s10, $0x2;
	[tilespmem:v2+s23+$0x0] =	vst.idx.msk $0xffff, v1  }
0x18e: {  	v1 =	vld [tilespmem:s10+$0x1400];
	v2 =	vor.u32 v0, v3;
	_ =	sdelay $0x4  }
0x18f: {  	[tilespmem:v2+s23+$0x0] =	vst.idx.msk $0xffff, v1  }
0x190: {  	v3 =	vor.u32 $0x1, v2;
	v1 =	vld [tilespmem:s10+$0x1480];
	_ =	sdelay $0x4  }
0x191: {  	[tilespmem:v3+s23+$0x0] =	vst.idx.msk $0xffff, v1  }
0x192: {  	v3 =	vor.u32 $0x2, v2;
	v1 =	vld [tilespmem:s10+$0x1500];
	_ =	sdelay $0x4  }
0x193: {  	[tilespmem:v3+s23+$0x0] =	vst.idx.msk $0xffff, v1  }
0x194: {  	v3 =	vor.u32 $0x3, v2;
	v1 =	vld [tilespmem:s10+$0x1580];
	_ =	sdelay $0x4  }
0x195: {  	[tilespmem:v3+s23+$0x0] =	vst.idx.msk $0xffff, v1  }
0x196: {  	v3 =	vor.u32 $0x4, v2;
	v1 =	vld [tilespmem:s10+$0x1600];
	_ =	sdelay $0x4  }
0x197: {  	[tilespmem:v3+s23+$0x0] =	vst.idx.msk $0xffff, v1  }
0x198: {  	v3 =	vor.u32 $0x5, v2;
	v1 =	vld [tilespmem:s10+$0x1680];
	_ =	sdelay $0x4  }
0x199: {  	[tilespmem:v3+s23+$0x0] =	vst.idx.msk $0xffff, v1  }
0x19a: {  	v3 =	vor.u32 $0x6, v2;
	v1 =	vld [tilespmem:s10+$0x1700];
	_ =	sdelay $0x4  }
0x19b: {  	[tilespmem:v3+s23+$0x0] =	vst.idx.msk $0xffff, v1  }
0x19c: {  	v3 =	vor.u32 $0x7, v2;
	v1 =	vld [tilespmem:s10+$0x1780];
	_ =	sdelay $0x4  }
0x19d: {  	[tilespmem:v3+s23+$0x0] =	vst.idx.msk $0xffff, v1  }
0x19e: {  	v3 =	vor.u32 $0x8, v2;
	v1 =	vld [tilespmem:s10+$0x1800];
	_ =	sdelay $0x4  }
0x19f: {  	[tilespmem:v3+s23+$0x0] =	vst.idx.msk $0xffff, v1  }
0x1a0: {  	v2 =	vor.u32 $0x9, v2;
	v1 =	vld [tilespmem:s10+$0x1880];
	_ =	sdelay $0x4  }
0x1a1: {  	s10 =	simm.s32 $0x0;
	[tilespmem:v2+s23+$0x0] =	vst.idx.msk $0xffff, v1  }
0x1a2: {  	[hbm4b:s16+s10] =	stream.linear.scatter [tilespmem:s23], [sflag:$0x2], $0x800, $0x38;
	[tilespmem:$0x2100] =	vst v63  }
0x1a3: {  	_ =	swait.ge [sflag:s19], $0x800  }
0x1a4: {  	[sflag:s19] =	ssyncset.done $0x0  }
0x1a5: {  	s11 =	simm.s32 $0x180;
	[sflag:s19] =	ssyncadd.s32 $0xFFFFF800  }
0x1a6: {  	[tilespmem:s31], [sflag:$0x1] =	stream.indirect.gather [hbm4b:s3+s30], $0x1, s11, s30, $0xb8;
	[tilespmem:$0x2100] =	vst v63  }
0x1a7: {  	s24 =	simm.s32 $0x380  }
0x1a8: {  	[tilespmem:s0], [sflag:$0x1] =	stream.indirect.gather [hbm4b:s3+s30], $0x1, s24, s30, $0xb8;
	[tilespmem:$0x2100] =	vst v63  }
0x1a9: {  	s25 =	simm.s32 $0x580  }
0x1aa: {  	[tilespmem:s1], [sflag:$0x1] =	stream.indirect.gather [hbm4b:s3+s30], $0x1, s25, s30, $0xb8;
	[tilespmem:$0x2100] =	vst v63  }
0x1ab: {  	s24 =	simm.s32 $0x780  }
0x1ac: {  	[tilespmem:s4], [sflag:$0x1] =	stream.indirect.gather [hbm4b:s3+s30], $0x1, s24, s30, $0xb8;
	[tilespmem:$0x2100] =	vst v63  }
0x1ad: {  	s25 =	simm.s32 $0x980  }
0x1ae: {  	[tilespmem:s5], [sflag:$0x1] =	stream.indirect.gather [hbm4b:s3+s30], $0x1, s25, s30, $0xb8;
	[tilespmem:$0x2100] =	vst v63  }
0x1af: {  	s24 =	simm.s32 $0xB80  }
0x1b0: {  	[tilespmem:s20], [sflag:$0x1] =	stream.indirect.gather [hbm4b:s3+s30], $0x1, s24, s30, $0xb8;
	[tilespmem:$0x2100] =	vst v63  }
0x1b1: {  	s25 =	simm.s32 $0xD80  }
0x1b2: {  	[tilespmem:s6], [sflag:$0x1] =	stream.indirect.gather [hbm4b:s3+s30], $0x1, s25, s30, $0xb8;
	[tilespmem:$0x2100] =	vst v63  }
0x1b3: {  	s24 =	simm.s32 $0xF80  }
0x1b4: {  	[tilespmem:s21], [sflag:$0x1] =	stream.indirect.gather [hbm4b:s3+s30], $0x1, s24, s30, $0xb8;
	[tilespmem:$0x2100] =	vst v63  }
0x1b5: {  	s25 =	simm.s32 $0x1180  }
0x1b6: {  	[tilespmem:s7], [sflag:$0x1] =	stream.indirect.gather [hbm4b:s3+s30], $0x1, s25, s30, $0xb8;
	[tilespmem:$0x2100] =	vst v63  }
0x1b7: {  	s24 =	simm.s32 $0x1380  }
0x1b8: {  	[tilespmem:s22], [sflag:$0x1] =	stream.indirect.gather [hbm4b:s3+s30], $0x1, s24, s30, $0xb8;
	[tilespmem:$0x2100] =	vst v63  }
0x1b9: {  	_ =	swait.ge [sflag:s8], $0x80  }
0x1ba: {  	[sflag:s8] =	ssyncset.done $0x0  }
0x1bb: {  	[sflag:s8] =	ssyncadd.s32 $0xFFFFFF80  }
0x1bc: {  	_ =	swait.ge [sflag:s8], $0x80  }
0x1bd: {  	[sflag:s8] =	ssyncset.done $0x0  }
0x1be: {  	[sflag:s8] =	ssyncadd.s32 $0xFFFFFF80  }
0x1bf: {  	_ =	swait.ge [sflag:s8], $0x80  }
0x1c0: {  	[sflag:s8] =	ssyncset.done $0x0  }
0x1c1: {  	[sflag:s8] =	ssyncadd.s32 $0xFFFFFF80  }
0x1c2: {  	_ =	swait.ge [sflag:s8], $0x80  }
0x1c3: {  	[sflag:s8] =	ssyncset.done $0x0  }
0x1c4: {  	[sflag:s8] =	ssyncadd.s32 $0xFFFFFF80  }
0x1c5: {  	_ =	swait.ge [sflag:s8], $0x80  }
0x1c6: {  	[sflag:s8] =	ssyncset.done $0x0  }
0x1c7: {  	[sflag:s8] =	ssyncadd.s32 $0xFFFFFF80  }
0x1c8: {  	_ =	swait.ge [sflag:s8], $0x80  }
0x1c9: {  	[sflag:s8] =	ssyncset.done $0x0  }
0x1ca: {  	[sflag:s8] =	ssyncadd.s32 $0xFFFFFF80  }
0x1cb: {  	_ =	swait.ge [sflag:s8], $0x80  }
0x1cc: {  	[sflag:s8] =	ssyncset.done $0x0  }
0x1cd: {  	[sflag:s8] =	ssyncadd.s32 $0xFFFFFF80  }
0x1ce: {  	_ =	swait.ge [sflag:s8], $0x80  }
0x1cf: {  	[sflag:s8] =	ssyncset.done $0x0  }
0x1d0: {  	[sflag:s8] =	ssyncadd.s32 $0xFFFFFF80  }
0x1d1: {  	_ =	swait.ge [sflag:s8], $0x80  }
0x1d2: {  	[sflag:s8] =	ssyncset.done $0x0  }
0x1d3: {  	[sflag:s8] =	ssyncadd.s32 $0xFFFFFF80  }
0x1d4: {  	_ =	swait.ge [sflag:s8], $0x80  }
0x1d5: {  	v1 =	vmov s10;
	[sflag:s8] =	ssyncset.done $0x0  }
0x1d6: {  	v1 =	vshll.u32 v1, $0x4;
	s25 =	simm.s32 $0x0;
	[sflag:s8] =	ssyncadd.s32 $0xFFFFFF80  }
0x1d7: {  	v3 =	vor.u32 v0, v1;
	v2 =	vld [tilespmem:s25+$0x1400];
	_ =	sdelay $0x4  }
0x1d8: {  	[tilespmem:v3+s23+$0x0] =	vst.idx.msk $0xffff, v2  }
0x1d9: {  	v2 =	vor.u32 $0x1, v3;
	v1 =	vld [tilespmem:s25+$0x1480];
	_ =	sdelay $0x4  }
0x1da: {  	[tilespmem:v2+s23+$0x0] =	vst.idx.msk $0xffff, v1  }
0x1db: {  	v2 =	vor.u32 $0x2, v3;
	v1 =	vld [tilespmem:s25+$0x1500];
	_ =	sdelay $0x4  }
0x1dc: {  	[tilespmem:v2+s23+$0x0] =	vst.idx.msk $0xffff, v1  }
0x1dd: {  	v2 =	vor.u32 $0x3, v3;
	v1 =	vld [tilespmem:s25+$0x1580];
	_ =	sdelay $0x4  }
0x1de: {  	[tilespmem:v2+s23+$0x0] =	vst.idx.msk $0xffff, v1  }
0x1df: {  	v2 =	vor.u32 $0x4, v3;
	v1 =	vld [tilespmem:s25+$0x1600];
	_ =	sdelay $0x4  }
0x1e0: {  	[tilespmem:v2+s23+$0x0] =	vst.idx.msk $0xffff, v1  }
0x1e1: {  	v2 =	vor.u32 $0x5, v3;
	v1 =	vld [tilespmem:s25+$0x1680];
	_ =	sdelay $0x4  }
0x1e2: {  	[tilespmem:v2+s23+$0x0] =	vst.idx.msk $0xffff, v1  }
0x1e3: {  	v2 =	vor.u32 $0x6, v3;
	v1 =	vld [tilespmem:s25+$0x1700];
	_ =	sdelay $0x4  }
0x1e4: {  	[tilespmem:v2+s23+$0x0] =	vst.idx.msk $0xffff, v1  }
0x1e5: {  	v2 =	vor.u32 $0x7, v3;
	v1 =	vld [tilespmem:s25+$0x1780];
	_ =	sdelay $0x4  }
0x1e6: {  	[tilespmem:v2+s23+$0x0] =	vst.idx.msk $0xffff, v1  }
0x1e7: {  	v2 =	vor.u32 $0x8, v3;
	v1 =	vld [tilespmem:s25+$0x1800];
	_ =	sdelay $0x4  }
0x1e8: {  	[tilespmem:v2+s23+$0x0] =	vst.idx.msk $0xffff, v1  }
0x1e9: {  	v2 =	vor.u32 $0x9, v3;
	v1 =	vld [tilespmem:s25+$0x1880];
	_ =	sdelay $0x2  }
0x1ea: {  	s24 =	simm.s32 $0x10  }
0x1eb: {  	s10 =	simm.s32 $0x40;
	v3 =	vmov s24;
	s25 =	simm.s32 $0x80  }
.LBB2_8:
0x1ec: {  	p0 =	sne.s32 s25, $0x1C0;
	v3 =	vshll.u32 v3, $0x4;
	s11 =	sshra.s32 s10, $0x2;
	[tilespmem:v2+s23+$0x0] =	vst.idx.msk $0xffff, v1;
	s10 =	smov.u32 s25  }
0x1ed: {  	v1 =	vld [tilespmem:s11+$0x1400];
	v2 =	vor.u32 v0, v3;
	_ =	sdelay $0x4  }
0x1ee: {  	[tilespmem:v2+s23+$0x0] =	vst.idx.msk $0xffff, v1  }
0x1ef: {  	v3 =	vor.u32 $0x1, v2;
	v1 =	vld [tilespmem:s11+$0x1480];
	_ =	sdelay $0x4  }
0x1f0: {  	[tilespmem:v3+s23+$0x0] =	vst.idx.msk $0xffff, v1  }
0x1f1: {  	v3 =	vor.u32 $0x2, v2;
	v1 =	vld [tilespmem:s11+$0x1500];
	_ =	sdelay $0x4  }
0x1f2: {  	[tilespmem:v3+s23+$0x0] =	vst.idx.msk $0xffff, v1  }
0x1f3: {  	v3 =	vor.u32 $0x3, v2;
	v1 =	vld [tilespmem:s11+$0x1580];
	_ =	sdelay $0x4  }
0x1f4: {  	[tilespmem:v3+s23+$0x0] =	vst.idx.msk $0xffff, v1  }
0x1f5: {  	v3 =	vor.u32 $0x4, v2;
	v1 =	vld [tilespmem:s11+$0x1600];
	_ =	sdelay $0x4  }
0x1f6: {  	[tilespmem:v3+s23+$0x0] =	vst.idx.msk $0xffff, v1  }
0x1f7: {  	v3 =	vor.u32 $0x5, v2;
	v1 =	vld [tilespmem:s11+$0x1680];
	_ =	sdelay $0x4  }
0x1f8: {  	[tilespmem:v3+s23+$0x0] =	vst.idx.msk $0xffff, v1  }
0x1f9: {  	v3 =	vor.u32 $0x6, v2;
	v1 =	vld [tilespmem:s11+$0x1700];
	_ =	sdelay $0x4  }
0x1fa: {  	[tilespmem:v3+s23+$0x0] =	vst.idx.msk $0xffff, v1  }
0x1fb: {  	v3 =	vor.u32 $0x7, v2;
	v1 =	vld [tilespmem:s11+$0x1780];
	_ =	sdelay $0x4  }
0x1fc: {  	[tilespmem:v3+s23+$0x0] =	vst.idx.msk $0xffff, v1  }
0x1fd: {  	v3 =	vor.u32 $0x8, v2;
	v1 =	vld [tilespmem:s11+$0x1800];
	_ =	sdelay $0x4  }
0x1fe: {  	[tilespmem:v3+s23+$0x0] =	vst.idx.msk $0xffff, v1  }
.Ltmp3:
0x1ff: {  	v2 =	vor.u32 $0x9, v2;
	v1 =	vld [tilespmem:s11+$0x1880];
	(pc) =	sbr.rel @p0 .LBB2_8-.Ltmp3, $3  }
0x200: {  	_ =	sdelay $0x1  }
0x201: {  	s24 =	sadd.s32 $0x10, s24  }
0x202: {  	s25 =	sadd.s32 $0x40, s25;
	v3 =	vmov s24  }
0x203: {  	_ =	sdelay $0x3  }
0x204: {  	v3 =	vshll.u32 v3, $0x4;
	s10 =	sshra.s32 s10, $0x2;
	[tilespmem:v2+s23+$0x0] =	vst.idx.msk $0xffff, v1  }
0x205: {  	v1 =	vld [tilespmem:s10+$0x1400];
	v2 =	vor.u32 v0, v3;
	_ =	sdelay $0x4  }
0x206: {  	[tilespmem:v2+s23+$0x0] =	vst.idx.msk $0xffff, v1  }
0x207: {  	v3 =	vor.u32 $0x1, v2;
	v1 =	vld [tilespmem:s10+$0x1480];
	_ =	sdelay $0x4  }
0x208: {  	[tilespmem:v3+s23+$0x0] =	vst.idx.msk $0xffff, v1  }
0x209: {  	v3 =	vor.u32 $0x2, v2;
	v1 =	vld [tilespmem:s10+$0x1500];
	_ =	sdelay $0x4  }
0x20a: {  	[tilespmem:v3+s23+$0x0] =	vst.idx.msk $0xffff, v1  }
0x20b: {  	v3 =	vor.u32 $0x3, v2;
	v1 =	vld [tilespmem:s10+$0x1580];
	_ =	sdelay $0x4  }
0x20c: {  	[tilespmem:v3+s23+$0x0] =	vst.idx.msk $0xffff, v1  }
0x20d: {  	v3 =	vor.u32 $0x4, v2;
	v1 =	vld [tilespmem:s10+$0x1600];
	_ =	sdelay $0x4  }
0x20e: {  	[tilespmem:v3+s23+$0x0] =	vst.idx.msk $0xffff, v1  }
0x20f: {  	v3 =	vor.u32 $0x5, v2;
	v1 =	vld [tilespmem:s10+$0x1680];
	_ =	sdelay $0x4  }
0x210: {  	[tilespmem:v3+s23+$0x0] =	vst.idx.msk $0xffff, v1  }
0x211: {  	v3 =	vor.u32 $0x6, v2;
	v1 =	vld [tilespmem:s10+$0x1700];
	_ =	sdelay $0x4  }
0x212: {  	[tilespmem:v3+s23+$0x0] =	vst.idx.msk $0xffff, v1  }
0x213: {  	v3 =	vor.u32 $0x7, v2;
	v1 =	vld [tilespmem:s10+$0x1780];
	_ =	sdelay $0x4  }
0x214: {  	[tilespmem:v3+s23+$0x0] =	vst.idx.msk $0xffff, v1  }
0x215: {  	v3 =	vor.u32 $0x8, v2;
	v1 =	vld [tilespmem:s10+$0x1800];
	_ =	sdelay $0x4  }
0x216: {  	[tilespmem:v3+s23+$0x0] =	vst.idx.msk $0xffff, v1  }
0x217: {  	v2 =	vor.u32 $0x9, v2;
	v1 =	vld [tilespmem:s10+$0x1880];
	_ =	sdelay $0x2  }
0x218: {  	s9 =	sadd.s32 $0x1, s9  }
0x219: {  	p0 =	sne.s32 s9, s18  }
.Ltmp4:
0x21a: {  	[tilespmem:v2+s23+$0x0] =	vst.idx.msk $0xffff, v1;
	(pc) =	sbr.rel @p0 .LBB2_1-.Ltmp4, $4  }
0x21b: {  	[hbm4b:s17+s2] =	stream.linear.scatter [tilespmem:s23], [sflag:$0x2], $0x800, $0x38;
	[tilespmem:$0x2100] =	vst v63  }
0x21c: {  	_ =	swait.ge [sflag:s19], $0x800  }
0x21d: {  	[sflag:s19] =	ssyncset.done $0x0  }
0x21e: {  	[sflag:s19] =	ssyncadd.s32 $0xFFFFF800  }
0x21f: {  	_ =	sfence.sel $0x180000  }
0x220: {  	[bflag:$0x0] =	sbarrier.arrive $0xFFFF  }
0x221: {  	_ =	strace $0x90000047  }
0x222: {  	s0 =	stileid.u32;
	[bflag:$0x2] =	sbarrier.arrive $0xFFFF  }
0x223: {  	p0 =	sne.s32 s0, $0x0;
	s0 =	rddreg [dreg:$0x2]  }
0x224: {  	s0 =	sadd.s32 @!p0 $0x100000, s0  }
0x225: {  	[sflag:s0] =	ssyncadd.tile.s32 @!p0 $0x1;
	_ =	shalt  }
.Lfunc_end2:
_tile_overlayer_lowered:
.L_overlay_start_2:
0x226: {  	(tag) =	ssettag $0x2  }
0x227: {  	s0 =	rddreg [dreg:$0x0];
	s2 =	stileid.u32  }
0x228: {  	s1 =	rddreg [dreg:$0x1];
	p0 =	sne.s32 s2, $0x0  }
0x229: {  	s3 =	rddreg [dreg:$0x2];
	[bflag:$0x3] =	sbarrier.arrive $0xFFFF;
	s2 =	simm.s32 @!p0 $0x1C02  }
0x22a: {  	[timem:s3], [sflag:s2] =	dma.local @!p0 [hbm:s0], s1  }
0x22b: {  	s0 =	simm.s32 @!p0 $0x2  }
0x22c: {  	_ =	swait.ge @!p0 [sflag:s0], s1  }
0x22d: {  	s1 =	ssub.s32 @!p0 $0x0, s1;
	[sflag:s0] =	ssyncset.done @!p0 $0x0  }
0x22e: {  	[sflag:s0] =	ssyncadd.s32 @!p0 s1  }
0x22f: {  	[bflag:$0x3] =	sbarrier.arrive $0xFFFF  }
0x230: {  	_ =	shalt  }

</sc_bundles>
